<compile_context>
chip_gen: v7x
topology: tpu7x:2x2x1
jax: 0.10.2.dev20260603
libtpu: 0.0.44.dev20260713+nightly
codegen_flags: <defaults>
</compile_context>

<pallas_src>
import functools

import jax
import jax.numpy as jnp
from jax import lax
from jax.experimental import pallas as pl
from jax.experimental.pallas import tpu as pltpu
from jax.experimental.pallas import tpu_sc as plsc

_N = 50000
_B = 4
_VT_MAX = 0.385
_DT = 0.015625

_NW = 32
_C = 1664
_NPAD = _NW * _C
_ROWS = _NPAD // 128
_TB = 32
_SS = _NPAD // 16
_SIT = _SS // 16
_SENT = 1e30

_f32 = jnp.float32
_i32 = jnp.int32


def _pad_flat(x, fill=0):
    x = x.reshape(-1)
    return jnp.pad(x, (0, _NPAD - x.shape[0]), constant_values=fill)


def _pad2d(x, fill=0):
    return _pad_flat(x, fill).reshape(_ROWS, 128)



def _prep_body(relax_ref, py, nt, uold, uori, jo, bat, xe, ye,
               g0, g1, g2, g3, gj, nte,
               d_o, uvis_o, ubase_o, urel_o, u_o, v_o, mextf_o, puon_o):
    ubc = -jnp.tanh(py[...] * 0.5)
    mask_b = (nt[...] == 1) | (nt[...] == 2)
    d_o[...] = jnp.where(mask_b, ubc, jnp.float32(jnp.inf))
    uvis_o[...] = jnp.where(mask_b, ubc, uori[...])
    ubase_o[...] = (uori[...] - uold[...]) * (1.0 / _DT) / jo[...]
    b = bat[...]
    r0 = relax_ref[0, 0]
    r1 = relax_ref[0, 1]
    r2 = relax_ref[0, 2]
    r3 = relax_ref[0, 3]
    urel_o[...] = jnp.where(b == 0, r0,
                  jnp.where(b == 1, r1,
                  jnp.where(b == 2, r2, r3))).astype(_f32)
    x = xe[...]
    y = ye[...]
    r = jnp.sqrt(x * x + y * y)
    er = jnp.exp(-r)
    e2 = er * er
    sech = (2.0 * er) / (1.0 + e2)
    v_t = sech * sech * ((1.0 - e2) / (1.0 + e2))
    mask_r = r > 1e-12
    r_safe = jnp.where(mask_r, r, 1.0)
    omega = jnp.where(mask_r, (v_t / r_safe) / _VT_MAX, 0.0)
    a = -omega * y
    bb = omega * x
    u_o[...] = (a * g0[...] + bb * g1[...]) / gj[...]
    v_o[...] = (a * g2[...] + bb * g3[...]) / gj[...]
    mextf_o[...] = jnp.where((nte[...] == 1) | (nte[...] == 2), 1.0, 0.0)
    puon_o[...] = _pk(uold[...], uori[...])


def _tc_prep(relax, py, nt, uold, uori, jo, bat, xe, ye, g0, g1, g2, g3, gj,
             nte):
    blk = lambda: pl.BlockSpec((_NPAD,), lambda: (0,))
    n_in = 14
    n_out = 8
    return pl.pallas_call(
        _prep_body,
        in_specs=[pl.BlockSpec(memory_space=pltpu.SMEM)]
        + [blk() for _ in range(n_in)],
        out_specs=[blk() for _ in range(n_out)],
        out_shape=[jax.ShapeDtypeStruct((_NPAD,), _f32)
                   for _ in range(n_out)],
    )(relax, py, nt, uold, uori, jo, bat, xe, ye, g0, g1, g2, g3, gj, nte)



@functools.lru_cache(maxsize=None)
def _mesh():
    return plsc.VectorSubcoreMesh(core_axis_name="c", subcore_axis_name="s",
                                  num_cores=2, num_subcores=16)



def _rb16(x):
    xi = lax.bitcast_convert_type(x, _i32)
    return (xi + 0x7FFF + ((xi >> 16) & 1)) >> 16


def _pk(a, b):
    return lax.bitcast_convert_type((_rb16(b) << 16) | (_rb16(a) & 0xFFFF), _f32)


def _upk(x):
    xi = lax.bitcast_convert_type(x, _i32)
    a = lax.bitcast_convert_type(xi << 16, _f32)
    b = lax.bitcast_convert_type(xi & jnp.int32(-65536), _f32)
    return a, b


def _big_body(puon_t, d_t, eidx, mextf, cuv, ia_cat, ib_cat,
              fa_cat, fb_cat, ubase, urel,
              part_out,
              i1, i2, i3, v1, v2, v3, v4, v5, v6,
              puon_s, d_s, c_s, uon_s, sem):
    ff_s = puon_s
    c = lax.axis_index("c")
    s = lax.axis_index("s")
    off = s * _SS
    coff = c * _NPAD + off
    sl = pl.ds(off, _SS)
    csl = pl.ds(coff, _SS)

    st = [pltpu.async_copy(puon_t.at[sl], puon_s.at[sl], sem),
          pltpu.async_copy(d_t.at[sl], d_s.at[sl], sem),
          pltpu.async_copy(cuv.at[csl], c_s.at[sl], sem)]
    pltpu.sync_copy(eidx.at[sl], i1)
    pltpu.sync_copy(mextf.at[sl], v4)
    for d in st:
        d.wait()
    plsc.subcore_barrier()

    g = [pltpu.async_copy(puon_s.at[i1], v1, sem),
         pltpu.async_copy(d_s.at[i1], v3, sem)]
    for d in g:
        d.wait()

    def body1(k, carry):
        ks = pl.ds(k * 16, 16)
        dd = v3[ks]
        sel = (v4[ks] > 0.5) & (dd < _SENT)
        au, bu = _upk(v1[ks])
        uo = jnp.where(sel, dd, au)
        un = jnp.where(sel, dd, bu)
        v5[ks] = _pk(uo, un)
        return carry

    lax.fori_loop(0, _SIT, body1, 0)
    pltpu.sync_copy(v5, uon_s.at[sl])
    plsc.subcore_barrier()

    pltpu.sync_copy(ia_cat.at[csl], i2)
    pltpu.sync_copy(ib_cat.at[csl], i3)
    g = [pltpu.async_copy(uon_s.at[i2], v1, sem),
         pltpu.async_copy(uon_s.at[i3], v2, sem),
         pltpu.async_copy(c_s.at[i2], v5, sem),
         pltpu.async_copy(c_s.at[i3], v6, sem)]
    for d in g:
        d.wait()

    def body2(k, carry):
        ks = pl.ds(k * 16, 16)
        uol, unl = _upk(v1[ks])
        uor, unr = _upk(v2[ks])
        cc = 0.25 * (v5[ks] + v6[ks])
        fo = (uol + uor) * cc
        fn = (unl + unr) * cc
        v1[ks] = _pk(fo, fn)
        return carry

    lax.fori_loop(0, _SIT, body2, 0)
    pltpu.sync_copy(v1, ff_s.at[sl])
    plsc.subcore_barrier()

    pltpu.sync_copy(fa_cat.at[csl], i2)
    pltpu.sync_copy(fb_cat.at[csl], i3)
    g = [pltpu.async_copy(ff_s.at[i2], v3, sem),
         pltpu.async_copy(ff_s.at[i3], v4, sem)]
    pltpu.sync_copy(ubase.at[sl], v1)
    pltpu.sync_copy(urel.at[sl], v2)
    for d in g:
        d.wait()
    bscale = jnp.where(c == 0, 1.0, 0.0) + jnp.zeros((16,), _f32)

    def body3(k, carry):
        ks = pl.ds(k * 16, 16)
        foa, fna = _upk(v3[ks])
        fob, fnb = _upk(v4[ks])
        ur = v2[ks]
        v3[ks] = (v1[ks] * bscale + ur * (fob - foa)
                  + (1.0 - ur) * (fnb - fna))
        return carry

    lax.fori_loop(0, _SIT, body3, 0)
    pltpu.sync_copy(v3, part_out.at[csl])


@functools.lru_cache(maxsize=None)
def _big():
    return pl.kernel(
        _big_body,
        out_type=jax.ShapeDtypeStruct((2 * _NPAD,), _f32),
        mesh=_mesh(),
        scratch_types=[
            pltpu.VMEM((_SS,), _i32),
            pltpu.VMEM((_SS,), _i32),
            pltpu.VMEM((_SS,), _i32),
        ] + [pltpu.VMEM((_SS,), _f32) for _ in range(6)] + [
            pltpu.VMEM_SHARED((_NPAD,), _f32) for _ in range(4)
        ] + [
            pltpu.SemaphoreType.DMA,
        ],
    )



def kernel(original_u, u_old, pos, node_type, extend_index, node_type_extended,
           original_block_metrics, extended_block_metrics, pos_extended,
           edge_node_xi_index, edge_node_eta_index, face_xi, face_eta, batch,
           pde_theta, relaxtion):
    del pde_theta
    py = _pad_flat(pos[:, 1].astype(_f32))
    nt = _pad_flat(node_type.astype(_i32))
    uold_f = _pad_flat(u_old[:, 0].astype(_f32))
    uori_f = _pad_flat(original_u[:, 0].astype(_f32))
    jo = _pad_flat(original_block_metrics[:, 4].astype(_f32), fill=1)
    bat = _pad_flat(batch.astype(_i32))
    xe = _pad_flat(pos_extended[:, 0].astype(_f32))
    ye = _pad_flat(pos_extended[:, 1].astype(_f32))
    g0 = _pad_flat(extended_block_metrics[:, 0].astype(_f32))
    g1 = _pad_flat(extended_block_metrics[:, 1].astype(_f32))
    g2 = _pad_flat(extended_block_metrics[:, 2].astype(_f32))
    g3 = _pad_flat(extended_block_metrics[:, 3].astype(_f32))
    gj = _pad_flat(extended_block_metrics[:, 4].astype(_f32), fill=1)
    nte = _pad_flat(node_type_extended.astype(_i32))
    relax = relaxtion.astype(_f32).reshape(1, _B)

    d_t, uvis, ubase, urel, uu, vv, mextf, puon = _tc_prep(
        relax, py, nt, uold_f, uori_f, jo, bat, xe, ye, g0, g1, g2, g3, gj,
        nte)

    eidx = _pad_flat(extend_index.astype(_i32))
    cuv = jnp.concatenate([uu, vv])
    ia_cat = jnp.concatenate([_pad_flat(edge_node_xi_index[0].astype(_i32)),
                              _pad_flat(edge_node_eta_index[0].astype(_i32))])
    ib_cat = jnp.concatenate([_pad_flat(edge_node_xi_index[1].astype(_i32)),
                              _pad_flat(edge_node_eta_index[1].astype(_i32))])
    fa_cat = jnp.concatenate([_pad_flat(face_xi[0].astype(_i32)),
                              _pad_flat(face_eta[0].astype(_i32))])
    fb_cat = jnp.concatenate([_pad_flat(face_xi[1].astype(_i32)),
                              _pad_flat(face_eta[1].astype(_i32))])

    part = _big()(puon, d_t, eidx, mextf,
                  cuv, ia_cat, ib_cat, fa_cat, fb_cat, ubase, urel)

    loss = (part[:_NPAD] + part[_NPAD:])[:_N].reshape(_N, 1)
    return (loss, uvis[:_N].reshape(_N, 1))

# --- scband reference (transcript-rebuilt; emitter-appended) ---
"""Pipeline reference for scband-fd-discretizer-90134183674493 (READ-ONLY COPY).

The authoritative reference and input builder live on the scoring server;
editing this copy changes nothing except your own understanding.
"""

import jax, jax.numpy as jnp
import numpy as np

N = 50000
NEXT = 50000
EXI = 50000
EETA = 50000
B = 4
VT_MAX = 0.385
INFLOW = 1
WALL = 2
DT = 0.015625


def u_fn(t, x, y):
    r = jnp.sqrt(x ** 2 + y ** 2)
    v_t = (1.0 / jnp.cosh(r)) ** 2 * jnp.tanh(r)
    mask = r > 1e-12
    r_safe = jnp.where(mask, r, 1.0)
    omega = jnp.where(mask, (v_t / r_safe) / VT_MAX, 0.0)
    term = y / 2.0 * jnp.cos(omega * t) - x / 2.0 * jnp.sin(omega * t)
    return -jnp.tanh(term)


def hard_enforce_BC(u_tensor, pos, node_type, extend_index, node_type_extended, t_current=0.0):
    xi = pos[:, 0]
    yi = pos[:, 1]
    u_bc = u_fn(t_current, xi, yi).reshape(-1, 1)
    mask_bc = (node_type == INFLOW) | (node_type == WALL)
    dummy_node_u = jnp.where(mask_bc[:, None], u_bc, u_tensor)
    extended_u = u_tensor[extend_index]
    extended_dummy = dummy_node_u[extend_index]
    mask_bc_extended = (node_type_extended == INFLOW) | (node_type_extended == WALL)
    extended_u = jnp.where(mask_bc_extended[:, None], extended_dummy, extended_u)
    return extended_u, dummy_node_u


def convect_flux(extended_u, a, b, dxi_dx, dxi_dy, deta_dx, deta_dy, J, l_node, r_node, d_node, u_node, l_edge, r_edge, d_edge, u_edge):
    u_hat = extended_u[:, 0]
    U_hat = a * dxi_dx + b * dxi_dy
    V_hat = a * deta_dx + b * deta_dy
    UoJ = U_hat / J
    VoJ = V_hat / J
    U_face = 0.5 * (UoJ[l_node] + UoJ[r_node])
    V_face = 0.5 * (VoJ[d_node] + VoJ[u_node])
    u_face_xi = 0.5 * (u_hat[l_node] + u_hat[r_node])
    u_face_eta = 0.5 * (u_hat[d_node] + u_hat[u_node])
    face_e = (u_face_xi[r_edge] * U_face[r_edge])[:, None]
    face_w = (u_face_xi[l_edge] * U_face[l_edge])[:, None]
    face_n = (u_face_eta[u_edge] * V_face[u_edge])[:, None]
    face_s = (u_face_eta[d_edge] * V_face[d_edge])[:, None]
    dE1u = (face_e[:, 0] - face_w[:, 0])[:, None]
    dE2u = (face_n[:, 0] - face_s[:, 0])[:, None]
    return dE1u + dE2u


def setup_inputs(seed: int = 0):
    key = jax.random.key(seed)
    ks = jax.random.split(key, 16)
    inp = {}
    inp["original_u"] = jax.random.normal(ks[0], (N, 1), dtype=jnp.float32)
    inp["u_old"] = jax.random.normal(ks[1], (N, 1), dtype=jnp.float32)
    inp["pos"] = jax.random.normal(ks[2], (N, 2), dtype=jnp.float32)
    inp["node_type"] = jax.random.randint(ks[3], (N,), 0, 5)
    inp["extend_index"] = jax.random.randint(ks[4], (NEXT,), 0, N)
    inp["node_type_extended"] = jax.random.randint(ks[5], (NEXT,), 0, 5)
    inp["original_block_metrics"] = jax.random.uniform(ks[6], (N, 5), minval=0.5, maxval=1.5, dtype=jnp.float32)
    inp["extended_block_metrics"] = jax.random.uniform(ks[7], (NEXT, 5), minval=0.5, maxval=1.5, dtype=jnp.float32)
    inp["pos_extended"] = jax.random.normal(ks[8], (NEXT, 2), dtype=jnp.float32)
    inp["edge_node_xi_index"] = jax.random.randint(ks[9], (2, EXI), 0, NEXT)
    inp["edge_node_eta_index"] = jax.random.randint(ks[10], (2, EETA), 0, NEXT)
    inp["face_xi"] = jax.random.randint(ks[11], (2, N), 0, EXI)
    inp["face_eta"] = jax.random.randint(ks[12], (2, N), 0, EETA)
    inp["batch"] = jnp.sort(jax.random.randint(ks[13], (N,), 0, B))
    inp["pde_theta"] = jax.random.uniform(ks[14], (B, 1), dtype=jnp.float32)
    inp["relaxtion"] = jax.random.uniform(ks[15], (B, 1), dtype=jnp.float32)
    return inp


def reference(original_u, u_old, pos, node_type, extend_index, node_type_extended, original_block_metrics, extended_block_metrics, pos_extended, edge_node_xi_index, edge_node_eta_index, face_xi, face_eta, batch, pde_theta, relaxtion):
    extended_u_old, _ = hard_enforce_BC(u_old, pos, node_type, extend_index, node_type_extended)
    extended_u, u_to_vis = hard_enforce_BC(original_u, pos, node_type, extend_index, node_type_extended)
    J_o = original_block_metrics[:, 4]
    l_node, r_node = edge_node_xi_index[0], edge_node_xi_index[1]
    d_node, u_node = edge_node_eta_index[0], edge_node_eta_index[1]
    l_edge, r_edge = face_xi[0], face_xi[1]
    d_edge, u_edge = face_eta[0], face_eta[1]
    pde_theta_node = pde_theta[batch]
    relax = relaxtion[batch]
    dxi_dx = extended_block_metrics[:, 0]
    dxi_dy = extended_block_metrics[:, 1]
    deta_dx = extended_block_metrics[:, 2]
    deta_dy = extended_block_metrics[:, 3]
    J = extended_block_metrics[:, 4]
    xi_node = pos_extended[:, 0]
    yi_node = pos_extended[:, 1]
    r = jnp.sqrt(xi_node ** 2 + yi_node ** 2)
    v_t = (1.0 / jnp.cosh(r)) ** 2 * jnp.tanh(r)
    mask_r = r > 1e-12
    r_safe = jnp.where(mask_r, r, 1.0)
    omega = jnp.where(mask_r, (v_t / r_safe) / VT_MAX, 0.0)
    a = -omega * yi_node
    b = omega * xi_node
    convect_old = convect_flux(extended_u_old, a, b, dxi_dx, dxi_dy, deta_dx, deta_dy, J, l_node, r_node, d_node, u_node, l_edge, r_edge, d_edge, u_edge)
    convect_new = convect_flux(extended_u, a, b, dxi_dx, dxi_dy, deta_dx, deta_dy, J, l_node, r_node, d_node, u_node, l_edge, r_edge, d_edge, u_edge)
    convect = convect_old * relax + convect_new * (1.0 - relax)
    unsteady = (original_u - u_old) / DT / J_o[:, None]
    loss_pde = 1.0 * unsteady + 1.0 * convect
    return (loss_pde, u_to_vis)

if __name__ == "__main__":
    import jax
    _d = setup_inputs()
    print(jax.jit(kernel)(*tuple(_d.values())))

</pallas_src>

<mosaic_0001>
#map = affine_map<(d0, d1) -> (0)>
module attributes {stable_mosaic.version = 14 : i64} {
  func.func @_big_body(%arg0: i32, %arg1: i32, %arg2: memref<53248xf32, #tpu.memory_space<hbm>>, %arg3: memref<53248xf32, #tpu.memory_space<hbm>>, %arg4: memref<53248xi32, #tpu.memory_space<hbm>>, %arg5: memref<53248xf32, #tpu.memory_space<hbm>>, %arg6: memref<106496xf32, #tpu.memory_space<hbm>>, %arg7: memref<106496xi32, #tpu.memory_space<hbm>>, %arg8: memref<106496xi32, #tpu.memory_space<hbm>>, %arg9: memref<106496xi32, #tpu.memory_space<hbm>>, %arg10: memref<106496xi32, #tpu.memory_space<hbm>>, %arg11: memref<53248xf32, #tpu.memory_space<hbm>>, %arg12: memref<53248xf32, #tpu.memory_space<hbm>>, %arg13: memref<106496xf32, #tpu.memory_space<hbm>>, %arg14: memref<3328xi32, #tpu.memory_space<vmem>>, %arg15: memref<3328xi32, #tpu.memory_space<vmem>>, %arg16: memref<3328xi32, #tpu.memory_space<vmem>>, %arg17: memref<3328xf32, #tpu.memory_space<vmem>>, %arg18: memref<3328xf32, #tpu.memory_space<vmem>>, %arg19: memref<3328xf32, #tpu.memory_space<vmem>>, %arg20: memref<3328xf32, #tpu.memory_space<vmem>>, %arg21: memref<3328xf32, #tpu.memory_space<vmem>>, %arg22: memref<3328xf32, #tpu.memory_space<vmem>>, %arg23: memref<53248xf32, #tpu.memory_space<vmem_shared>>, %arg24: memref<53248xf32, #tpu.memory_space<vmem_shared>>, %arg25: memref<53248xf32, #tpu.memory_space<vmem_shared>>, %arg26: memref<53248xf32, #tpu.memory_space<vmem_shared>>, %arg27: memref<!tpu.dma_semaphore, #tpu.memory_space<semaphore_mem>>) attributes {dimension_semantics = [#tpu.dimension_semantics<core_parallel>, #tpu.dimension_semantics<subcore_parallel>], iteration_bounds = array<i64: 2, 16>, scalar_prefetch = 0 : i64, scratch_operands = 14 : i64, tpu.core_type = #tpu.core_type<sc_vector_subcore>, window_params = [{transform_indices = #map}, {transform_indices = #map}, {transform_indices = #map}, {transform_indices = #map}, {transform_indices = #map}, {transform_indices = #map}, {transform_indices = #map}, {transform_indices = #map}, {transform_indices = #map}, {transform_indices = #map}, {transform_indices = #map}, {transform_indices = #map}]} {
    %mul3A = arith.constant 3328 : i32
    %mul3A_0 = arith.muli %arg1, %mul3A : i32
    %mul3A_1 = arith.constant 53248 : i32
    %mul3A_2 = arith.muli %arg0, %mul3A_1 : i32
    %add3A = arith.addi %mul3A_2, %mul3A_0 : i32
    %dma_start3A = tpu.memref_slice %arg23[%mul3A_0] : memref<53248xf32, #tpu.memory_space<vmem_shared>> -> memref<3328xf32, #tpu.memory_space<vmem_shared>>
    %dma_start3A_3 = tpu.memref_slice %arg2[%mul3A_0] : memref<53248xf32, #tpu.memory_space<hbm>> -> memref<3328xf32, #tpu.memory_space<hbm>>
    tpu.enqueue_dma source(%dma_start3A_3 : memref<3328xf32, #tpu.memory_space<hbm>>) target(%dma_start3A : memref<3328xf32, #tpu.memory_space<vmem_shared>>) target_semaphore(%arg27 : memref<!tpu.dma_semaphore, #tpu.memory_space<semaphore_mem>>)
    %dma_start3A_4 = tpu.memref_slice %arg24[%mul3A_0] : memref<53248xf32, #tpu.memory_space<vmem_shared>> -> memref<3328xf32, #tpu.memory_space<vmem_shared>>
    %dma_start3A_5 = tpu.memref_slice %arg3[%mul3A_0] : memref<53248xf32, #tpu.memory_space<hbm>> -> memref<3328xf32, #tpu.memory_space<hbm>>
    tpu.enqueue_dma source(%dma_start3A_5 : memref<3328xf32, #tpu.memory_space<hbm>>) target(%dma_start3A_4 : memref<3328xf32, #tpu.memory_space<vmem_shared>>) target_semaphore(%arg27 : memref<!tpu.dma_semaphore, #tpu.memory_space<semaphore_mem>>)
    %dma_start3A_6 = tpu.memref_slice %arg25[%mul3A_0] : memref<53248xf32, #tpu.memory_space<vmem_shared>> -> memref<3328xf32, #tpu.memory_space<vmem_shared>>
    %dma_start3A_7 = tpu.memref_slice %arg6[%add3A] : memref<106496xf32, #tpu.memory_space<hbm>> -> memref<3328xf32, #tpu.memory_space<hbm>>
    tpu.enqueue_dma source(%dma_start3A_7 : memref<3328xf32, #tpu.memory_space<hbm>>) target(%dma_start3A_6 : memref<3328xf32, #tpu.memory_space<vmem_shared>>) target_semaphore(%arg27 : memref<!tpu.dma_semaphore, #tpu.memory_space<semaphore_mem>>)
    "tpu.region"() ({
      %run_scoped3A = tpu.sem_alloc : memref<!tpu.dma_semaphore, #tpu.memory_space<semaphore_mem>>
      %dma_start3A_69 = tpu.memref_slice %arg4[%mul3A_0] : memref<53248xi32, #tpu.memory_space<hbm>> -> memref<3328xi32, #tpu.memory_space<hbm>>
      %dma_start3A_70 = tpu.memref_slice %arg4[%mul3A_0] : memref<53248xi32, #tpu.memory_space<hbm>> -> memref<3328xi32, #tpu.memory_space<hbm>>
      tpu.enqueue_dma source(%dma_start3A_70 : memref<3328xi32, #tpu.memory_space<hbm>>) target(%arg14 : memref<3328xi32, #tpu.memory_space<vmem>>) target_semaphore(%run_scoped3A : memref<!tpu.dma_semaphore, #tpu.memory_space<semaphore_mem>>)
      %dma_wait3A_71 = tpu.memref_slice %arg4[%mul3A_0] : memref<53248xi32, #tpu.memory_space<hbm>> -> memref<3328xi32, #tpu.memory_space<hbm>>
      %dma_wait3A_72 = tpu.memref_slice %arg4[%mul3A_0] : memref<53248xi32, #tpu.memory_space<hbm>> -> memref<3328xi32, #tpu.memory_space<hbm>>
      tpu.wait_dma2 semaphore(%run_scoped3A : memref<!tpu.dma_semaphore, #tpu.memory_space<semaphore_mem>>) src(%dma_wait3A_72 : memref<3328xi32, #tpu.memory_space<hbm>>) dst(%arg14 : memref<3328xi32, #tpu.memory_space<vmem>>)
      tpu.yield
    }) : () -> ()
    "tpu.region"() ({
      %run_scoped3A = tpu.sem_alloc : memref<!tpu.dma_semaphore, #tpu.memory_space<semaphore_mem>>
      %dma_start3A_69 = tpu.memref_slice %arg5[%mul3A_0] : memref<53248xf32, #tpu.memory_space<hbm>> -> memref<3328xf32, #tpu.memory_space<hbm>>
      %dma_start3A_70 = tpu.memref_slice %arg5[%mul3A_0] : memref<53248xf32, #tpu.memory_space<hbm>> -> memref<3328xf32, #tpu.memory_space<hbm>>
      tpu.enqueue_dma source(%dma_start3A_70 : memref<3328xf32, #tpu.memory_space<hbm>>) target(%arg20 : memref<3328xf32, #tpu.memory_space<vmem>>) target_semaphore(%run_scoped3A : memref<!tpu.dma_semaphore, #tpu.memory_space<semaphore_mem>>)
      %dma_wait3A_71 = tpu.memref_slice %arg5[%mul3A_0] : memref<53248xf32, #tpu.memory_space<hbm>> -> memref<3328xf32, #tpu.memory_space<hbm>>
      %dma_wait3A_72 = tpu.memref_slice %arg5[%mul3A_0] : memref<53248xf32, #tpu.memory_space<hbm>> -> memref<3328xf32, #tpu.memory_space<hbm>>
      tpu.wait_dma2 semaphore(%run_scoped3A : memref<!tpu.dma_semaphore, #tpu.memory_space<semaphore_mem>>) src(%dma_wait3A_72 : memref<3328xf32, #tpu.memory_space<hbm>>) dst(%arg20 : memref<3328xf32, #tpu.memory_space<vmem>>)
      tpu.yield
    }) : () -> ()
    %dma_wait3A = tpu.memref_slice %arg23[%mul3A_0] : memref<53248xf32, #tpu.memory_space<vmem_shared>> -> memref<3328xf32, #tpu.memory_space<vmem_shared>>
    %dma_wait3A_8 = tpu.memref_slice %arg2[%mul3A_0] : memref<53248xf32, #tpu.memory_space<hbm>> -> memref<3328xf32, #tpu.memory_space<hbm>>
    tpu.wait_dma2 semaphore(%arg27 : memref<!tpu.dma_semaphore, #tpu.memory_space<semaphore_mem>>) src(%dma_wait3A_8 : memref<3328xf32, #tpu.memory_space<hbm>>) dst(%dma_wait3A : memref<3328xf32, #tpu.memory_space<vmem_shared>>)
    %dma_wait3A_9 = tpu.memref_slice %arg24[%mul3A_0] : memref<53248xf32, #tpu.memory_space<vmem_shared>> -> memref<3328xf32, #tpu.memory_space<vmem_shared>>
    %dma_wait3A_10 = tpu.memref_slice %arg3[%mul3A_0] : memref<53248xf32, #tpu.memory_space<hbm>> -> memref<3328xf32, #tpu.memory_space<hbm>>
    tpu.wait_dma2 semaphore(%arg27 : memref<!tpu.dma_semaphore, #tpu.memory_space<semaphore_mem>>) src(%dma_wait3A_10 : memref<3328xf32, #tpu.memory_space<hbm>>) dst(%dma_wait3A_9 : memref<3328xf32, #tpu.memory_space<vmem_shared>>)
    %dma_wait3A_11 = tpu.memref_slice %arg25[%mul3A_0] : memref<53248xf32, #tpu.memory_space<vmem_shared>> -> memref<3328xf32, #tpu.memory_space<vmem_shared>>
    %dma_wait3A_12 = tpu.memref_slice %arg6[%add3A] : memref<106496xf32, #tpu.memory_space<hbm>> -> memref<3328xf32, #tpu.memory_space<hbm>>
    tpu.wait_dma2 semaphore(%arg27 : memref<!tpu.dma_semaphore, #tpu.memory_space<semaphore_mem>>) src(%dma_wait3A_12 : memref<3328xf32, #tpu.memory_space<hbm>>) dst(%dma_wait3A_11 : memref<3328xf32, #tpu.memory_space<vmem_shared>>)
    %barrier3A = arith.constant 0 : index
    tpu.barrier barrier_id(%barrier3A)
    %dma_start3A_13 = arith.constant 0 : i32
    %dma_start3A_14 = tpu.memref_slice %arg23[%dma_start3A_13] : memref<53248xf32, #tpu.memory_space<vmem_shared>> -> memref<53248xf32, #tpu.memory_space<vmem_shared>>
    tpu.enqueue_indirect_dma source(%dma_start3A_14 : memref<53248xf32, #tpu.memory_space<vmem_shared>>) target(%arg17 : memref<3328xf32, #tpu.memory_space<vmem>>) offsets(%arg14 : memref<3328xi32, #tpu.memory_space<vmem>>) semaphore(%arg27 : memref<!tpu.dma_semaphore, #tpu.memory_space<semaphore_mem>>)
    %dma_start3A_15 = arith.constant 0 : i32
    %dma_start3A_16 = tpu.memref_slice %arg24[%dma_start3A_15] : memref<53248xf32, #tpu.memory_space<vmem_shared>> -> memref<53248xf32, #tpu.memory_space<vmem_shared>>
    tpu.enqueue_indirect_dma source(%dma_start3A_16 : memref<53248xf32, #tpu.memory_space<vmem_shared>>) target(%arg19 : memref<3328xf32, #tpu.memory_space<vmem>>) offsets(%arg14 : memref<3328xi32, #tpu.memory_space<vmem>>) semaphore(%arg27 : memref<!tpu.dma_semaphore, #tpu.memory_space<semaphore_mem>>)
    %dma_wait3A_17 = arith.constant 0 : i32
    %dma_wait3A_18 = tpu.memref_slice %arg23[%dma_wait3A_17] : memref<53248xf32, #tpu.memory_space<vmem_shared>> -> memref<53248xf32, #tpu.memory_space<vmem_shared>>
    tpu.wait_indirect_dma semaphore(%arg27 : memref<!tpu.dma_semaphore, #tpu.memory_space<semaphore_mem>>) src(%dma_wait3A_18 : memref<53248xf32, #tpu.memory_space<vmem_shared>>) dst(%arg17 : memref<3328xf32, #tpu.memory_space<vmem>>)
    %dma_wait3A_19 = arith.constant 0 : i32
    %dma_wait3A_20 = tpu.memref_slice %arg24[%dma_wait3A_19] : memref<53248xf32, #tpu.memory_space<vmem_shared>> -> memref<53248xf32, #tpu.memory_space<vmem_shared>>
    tpu.wait_indirect_dma semaphore(%arg27 : memref<!tpu.dma_semaphore, #tpu.memory_space<semaphore_mem>>) src(%dma_wait3A_20 : memref<53248xf32, #tpu.memory_space<vmem_shared>>) dst(%arg19 : memref<3328xf32, #tpu.memory_space<vmem>>)
    %scan3A = arith.constant 0 : i32
    %scan3A_21 = arith.constant 0 : i32
    %scan3A_22 = arith.constant 208 : i32
    %scan3A_23 = arith.addi %scan3A_21, %scan3A_22 : i32
    %scan3A_24 = arith.constant 1 : i32
    scf.for %scan3A_69 = %scan3A_21 to %scan3A_23 step %scan3A_24  : i32 {
      %mul3A_70 = arith.constant 16 : i32
      %mul3A_71 = arith.muli %scan3A_69, %mul3A_70 : i32
      %get3A = arith.index_cast %mul3A_71 : i32 to index
      %get3A_72 = tpu.vector_load %arg19[%get3A] {strides = array<i32>} : memref<3328xf32, #tpu.memory_space<vmem>>, vector<16xf32>,
      %get3A_73 = vector.shape_cast %get3A_72 : vector<16xf32> to vector<16xf32>
      %get3A_74 = arith.index_cast %mul3A_71 : i32 to index
      %get3A_75 = tpu.vector_load %arg20[%get3A_74] {strides = array<i32>} : memref<3328xf32, #tpu.memory_space<vmem>>, vector<16xf32>,
      %get3A_76 = vector.shape_cast %get3A_75 : vector<16xf32> to vector<16xf32>
      %gt3A = arith.constant 5.000000e-01 : f32
      %gt3A_77 = vector.broadcast %gt3A : f32 to vector<16xf32>
      %gt3A_78 = arith.cmpf ogt, %get3A_76, %gt3A_77 : vector<16xf32>
      %lt3A = arith.constant 1.000000e+30 : f32
      %lt3A_79 = vector.broadcast %lt3A : f32 to vector<16xf32>
      %lt3A_80 = arith.cmpf olt, %get3A_73, %lt3A_79 : vector<16xf32>
      %and3A = arith.andi %gt3A_78, %lt3A_80 : vector<16xi1>
      %get3A_81 = arith.index_cast %mul3A_71 : i32 to index
      %get3A_82 = tpu.vector_load %arg17[%get3A_81] {strides = array<i32>} : memref<3328xf32, #tpu.memory_space<vmem>>, vector<16xf32>,
      %get3A_83 = vector.shape_cast %get3A_82 : vector<16xf32> to vector<16xf32>
      %bitcast_convert_type3A = tpu.bitcast %get3A_83 : vector<16xf32> -> vector<16xi32>
      %shift_left3A = arith.constant 16 : i32
      %shift_left3A_84 = vector.broadcast %shift_left3A : i32 to vector<16xi32>
      %shift_left3A_85 = arith.shli %bitcast_convert_type3A, %shift_left3A_84 : vector<16xi32>
      %bitcast_convert_type3A_86 = tpu.bitcast %shift_left3A_85 : vector<16xi32> -> vector<16xf32>
      %and3A_87 = arith.constant -65536 : i32
      %and3A_88 = vector.broadcast %and3A_87 : i32 to vector<16xi32>
      %and3A_89 = arith.andi %bitcast_convert_type3A, %and3A_88 : vector<16xi32>
      %bitcast_convert_type3A_90 = tpu.bitcast %and3A_89 : vector<16xi32> -> vector<16xf32>
      %select_n3A_91 = arith.select %and3A, %get3A_73, %bitcast_convert_type3A_86 : vector<16xi1>, vector<16xf32>
      %select_n3A_92 = arith.select %and3A, %get3A_73, %bitcast_convert_type3A_90 : vector<16xi1>, vector<16xf32>
      %bitcast_convert_type3A_93 = tpu.bitcast %select_n3A_92 : vector<16xf32> -> vector<16xi32>
      %add3A_94 = arith.constant 32767 : i32
      %add3A_95 = vector.broadcast %add3A_94 : i32 to vector<16xi32>
      %add3A_96 = arith.addi %bitcast_convert_type3A_93, %add3A_95 : vector<16xi32>
      %shift_right_arithmetic3A = arith.constant 16 : i32
      %shift_right_arithmetic3A_97 = vector.broadcast %shift_right_arithmetic3A : i32 to vector<16xi32>
      %shift_right_arithmetic3A_98 = arith.shrsi %bitcast_convert_type3A_93, %shift_right_arithmetic3A_97 : vector<16xi32>
      %and3A_99 = arith.constant 1 : i32
      %and3A_100 = vector.broadcast %and3A_99 : i32 to vector<16xi32>
      %and3A_101 = arith.andi %shift_right_arithmetic3A_98, %and3A_100 : vector<16xi32>
      %add3A_102 = arith.addi %add3A_96, %and3A_101 : vector<16xi32>
      %shift_right_arithmetic3A_103 = arith.constant 16 : i32
      %shift_right_arithmetic3A_104 = vector.broadcast %shift_right_arithmetic3A_103 : i32 to vector<16xi32>
      %shift_right_arithmetic3A_105 = arith.shrsi %add3A_102, %shift_right_arithmetic3A_104 : vector<16xi32>
      %shift_left3A_106 = arith.constant 16 : i32
      %shift_left3A_107 = vector.broadcast %shift_left3A_106 : i32 to vector<16xi32>
      %shift_left3A_108 = arith.shli %shift_right_arithmetic3A_105, %shift_left3A_107 : vector<16xi32>
      %bitcast_convert_type3A_109 = tpu.bitcast %select_n3A_91 : vector<16xf32> -> vector<16xi32>
      %add3A_110 = arith.constant 32767 : i32
      %add3A_111 = vector.broadcast %add3A_110 : i32 to vector<16xi32>
      %add3A_112 = arith.addi %bitcast_convert_type3A_109, %add3A_111 : vector<16xi32>
      %shift_right_arithmetic3A_113 = arith.constant 16 : i32
      %shift_right_arithmetic3A_114 = vector.broadcast %shift_right_arithmetic3A_113 : i32 to vector<16xi32>
      %shift_right_arithmetic3A_115 = arith.shrsi %bitcast_convert_type3A_109, %shift_right_arithmetic3A_114 : vector<16xi32>
      %and3A_116 = arith.constant 1 : i32
      %and3A_117 = vector.broadcast %and3A_116 : i32 to vector<16xi32>
      %and3A_118 = arith.andi %shift_right_arithmetic3A_115, %and3A_117 : vector<16xi32>
      %add3A_119 = arith.addi %add3A_112, %and3A_118 : vector<16xi32>
      %shift_right_arithmetic3A_120 = arith.constant 16 : i32
      %shift_right_arithmetic3A_121 = vector.broadcast %shift_right_arithmetic3A_120 : i32 to vector<16xi32>
      %shift_right_arithmetic3A_122 = arith.shrsi %add3A_119, %shift_right_arithmetic3A_121 : vector<16xi32>
      %and3A_123 = arith.constant 65535 : i32
      %and3A_124 = vector.broadcast %and3A_123 : i32 to vector<16xi32>
      %and3A_125 = arith.andi %shift_right_arithmetic3A_122, %and3A_124 : vector<16xi32>
      %or3A = arith.ori %shift_left3A_108, %and3A_125 : vector<16xi32>
      %bitcast_convert_type3A_126 = tpu.bitcast %or3A : vector<16xi32> -> vector<16xf32>
      %swap3A = arith.index_cast %mul3A_71 : i32 to index
      %swap3A_127 = tpu.vector_load %arg21[%swap3A] {strides = array<i32>} : memref<3328xf32, #tpu.memory_space<vmem>>, vector<16xf32>,
      %swap3A_128 = vector.shape_cast %swap3A_127 : vector<16xf32> to vector<16xf32>
      %swap3A_129 = vector.shape_cast %bitcast_convert_type3A_126 : vector<16xf32> to vector<16xf32>
      tpu.vector_store %arg21[%swap3A], %swap3A_129 {strides = array<i32>} : memref<3328xf32, #tpu.memory_space<vmem>>, vector<16xf32>,
    }
    %scan3A_25 = arith.constant 208 : i32
    "tpu.region"() ({
      %run_scoped3A = tpu.sem_alloc : memref<!tpu.dma_semaphore, #tpu.memory_space<semaphore_mem>>
      %dma_start3A_69 = tpu.memref_slice %arg26[%mul3A_0] : memref<53248xf32, #tpu.memory_space<vmem_shared>> -> memref<3328xf32, #tpu.memory_space<vmem_shared>>
      %dma_start3A_70 = tpu.memref_slice %arg26[%mul3A_0] : memref<53248xf32, #tpu.memory_space<vmem_shared>> -> memref<3328xf32, #tpu.memory_space<vmem_shared>>
      tpu.enqueue_dma source(%arg21 : memref<3328xf32, #tpu.memory_space<vmem>>) target(%dma_start3A_70 : memref<3328xf32, #tpu.memory_space<vmem_shared>>) target_semaphore(%run_scoped3A : memref<!tpu.dma_semaphore, #tpu.memory_space<semaphore_mem>>)
      %dma_wait3A_71 = tpu.memref_slice %arg26[%mul3A_0] : memref<53248xf32, #tpu.memory_space<vmem_shared>> -> memref<3328xf32, #tpu.memory_space<vmem_shared>>
      %dma_wait3A_72 = tpu.memref_slice %arg26[%mul3A_0] : memref<53248xf32, #tpu.memory_space<vmem_shared>> -> memref<3328xf32, #tpu.memory_space<vmem_shared>>
      tpu.wait_dma2 semaphore(%run_scoped3A : memref<!tpu.dma_semaphore, #tpu.memory_space<semaphore_mem>>) src(%arg21 : memref<3328xf32, #tpu.memory_space<vmem>>) dst(%dma_wait3A_72 : memref<3328xf32, #tpu.memory_space<vmem_shared>>)
      tpu.yield
    }) : () -> ()
    %barrier3A_26 = arith.constant 0 : index
    tpu.barrier barrier_id(%barrier3A_26)
    "tpu.region"() ({
      %run_scoped3A = tpu.sem_alloc : memref<!tpu.dma_semaphore, #tpu.memory_space<semaphore_mem>>
      %dma_start3A_69 = tpu.memref_slice %arg7[%add3A] : memref<106496xi32, #tpu.memory_space<hbm>> -> memref<3328xi32, #tpu.memory_space<hbm>>
      %dma_start3A_70 = tpu.memref_slice %arg7[%add3A] : memref<106496xi32, #tpu.memory_space<hbm>> -> memref<3328xi32, #tpu.memory_space<hbm>>
      tpu.enqueue_dma source(%dma_start3A_70 : memref<3328xi32, #tpu.memory_space<hbm>>) target(%arg15 : memref<3328xi32, #tpu.memory_space<vmem>>) target_semaphore(%run_scoped3A : memref<!tpu.dma_semaphore, #tpu.memory_space<semaphore_mem>>)
      %dma_wait3A_71 = tpu.memref_slice %arg7[%add3A] : memref<106496xi32, #tpu.memory_space<hbm>> -> memref<3328xi32, #tpu.memory_space<hbm>>
      %dma_wait3A_72 = tpu.memref_slice %arg7[%add3A] : memref<106496xi32, #tpu.memory_space<hbm>> -> memref<3328xi32, #tpu.memory_space<hbm>>
      tpu.wait_dma2 semaphore(%run_scoped3A : memref<!tpu.dma_semaphore, #tpu.memory_space<semaphore_mem>>) src(%dma_wait3A_72 : memref<3328xi32, #tpu.memory_space<hbm>>) dst(%arg15 : memref<3328xi32, #tpu.memory_space<vmem>>)
      tpu.yield
    }) : () -> ()
    "tpu.region"() ({
      %run_scoped3A = tpu.sem_alloc : memref<!tpu.dma_semaphore, #tpu.memory_space<semaphore_mem>>
      %dma_start3A_69 = tpu.memref_slice %arg8[%add3A] : memref<106496xi32, #tpu.memory_space<hbm>> -> memref<3328xi32, #tpu.memory_space<hbm>>
      %dma_start3A_70 = tpu.memref_slice %arg8[%add3A] : memref<106496xi32, #tpu.memory_space<hbm>> -> memref<3328xi32, #tpu.memory_space<hbm>>
      tpu.enqueue_dma source(%dma_start3A_70 : memref<3328xi32, #tpu.memory_space<hbm>>) target(%arg16 : memref<3328xi32, #tpu.memory_space<vmem>>) target_semaphore(%run_scoped3A : memref<!tpu.dma_semaphore, #tpu.memory_space<semaphore_mem>>)
      %dma_wait3A_71 = tpu.memref_slice %arg8[%add3A] : memref<106496xi32, #tpu.memory_space<hbm>> -> memref<3328xi32, #tpu.memory_space<hbm>>
      %dma_wait3A_72 = tpu.memref_slice %arg8[%add3A] : memref<106496xi32, #tpu.memory_space<hbm>> -> memref<3328xi32, #tpu.memory_space<hbm>>
      tpu.wait_dma2 semaphore(%run_scoped3A : memref<!tpu.dma_semaphore, #tpu.memory_space<semaphore_mem>>) src(%dma_wait3A_72 : memref<3328xi32, #tpu.memory_space<hbm>>) dst(%arg16 : memref<3328xi32, #tpu.memory_space<vmem>>)
      tpu.yield
    }) : () -> ()
    %dma_start3A_27 = arith.constant 0 : i32
    %dma_start3A_28 = tpu.memref_slice %arg26[%dma_start3A_27] : memref<53248xf32, #tpu.memory_space<vmem_shared>> -> memref<53248xf32, #tpu.memory_space<vmem_shared>>
    tpu.enqueue_indirect_dma source(%dma_start3A_28 : memref<53248xf32, #tpu.memory_space<vmem_shared>>) target(%arg17 : memref<3328xf32, #tpu.memory_space<vmem>>) offsets(%arg15 : memref<3328xi32, #tpu.memory_space<vmem>>) semaphore(%arg27 : memref<!tpu.dma_semaphore, #tpu.memory_space<semaphore_mem>>)
    %dma_start3A_29 = arith.constant 0 : i32
    %dma_start3A_30 = tpu.memref_slice %arg26[%dma_start3A_29] : memref<53248xf32, #tpu.memory_space<vmem_shared>> -> memref<53248xf32, #tpu.memory_space<vmem_shared>>
    tpu.enqueue_indirect_dma source(%dma_start3A_30 : memref<53248xf32, #tpu.memory_space<vmem_shared>>) target(%arg18 : memref<3328xf32, #tpu.memory_space<vmem>>) offsets(%arg16 : memref<3328xi32, #tpu.memory_space<vmem>>) semaphore(%arg27 : memref<!tpu.dma_semaphore, #tpu.memory_space<semaphore_mem>>)
    %dma_start3A_31 = arith.constant 0 : i32
    %dma_start3A_32 = tpu.memref_slice %arg25[%dma_start3A_31] : memref<53248xf32, #tpu.memory_space<vmem_shared>> -> memref<53248xf32, #tpu.memory_space<vmem_shared>>
    tpu.enqueue_indirect_dma source(%dma_start3A_32 : memref<53248xf32, #tpu.memory_space<vmem_shared>>) target(%arg21 : memref<3328xf32, #tpu.memory_space<vmem>>) offsets(%arg15 : memref<3328xi32, #tpu.memory_space<vmem>>) semaphore(%arg27 : memref<!tpu.dma_semaphore, #tpu.memory_space<semaphore_mem>>)
    %dma_start3A_33 = arith.constant 0 : i32
    %dma_start3A_34 = tpu.memref_slice %arg25[%dma_start3A_33] : memref<53248xf32, #tpu.memory_space<vmem_shared>> -> memref<53248xf32, #tpu.memory_space<vmem_shared>>
    tpu.enqueue_indirect_dma source(%dma_start3A_34 : memref<53248xf32, #tpu.memory_space<vmem_shared>>) target(%arg22 : memref<3328xf32, #tpu.memory_space<vmem>>) offsets(%arg16 : memref<3328xi32, #tpu.memory_space<vmem>>) semaphore(%arg27 : memref<!tpu.dma_semaphore, #tpu.memory_space<semaphore_mem>>)
    %dma_wait3A_35 = arith.constant 0 : i32
    %dma_wait3A_36 = tpu.memref_slice %arg26[%dma_wait3A_35] : memref<53248xf32, #tpu.memory_space<vmem_shared>> -> memref<53248xf32, #tpu.memory_space<vmem_shared>>
    tpu.wait_indirect_dma semaphore(%arg27 : memref<!tpu.dma_semaphore, #tpu.memory_space<semaphore_mem>>) src(%dma_wait3A_36 : memref<53248xf32, #tpu.memory_space<vmem_shared>>) dst(%arg17 : memref<3328xf32, #tpu.memory_space<vmem>>)
    %dma_wait3A_37 = arith.constant 0 : i32
    %dma_wait3A_38 = tpu.memref_slice %arg26[%dma_wait3A_37] : memref<53248xf32, #tpu.memory_space<vmem_shared>> -> memref<53248xf32, #tpu.memory_space<vmem_shared>>
    tpu.wait_indirect_dma semaphore(%arg27 : memref<!tpu.dma_semaphore, #tpu.memory_space<semaphore_mem>>) src(%dma_wait3A_38 : memref<53248xf32, #tpu.memory_space<vmem_shared>>) dst(%arg18 : memref<3328xf32, #tpu.memory_space<vmem>>)
    %dma_wait3A_39 = arith.constant 0 : i32
    %dma_wait3A_40 = tpu.memref_slice %arg25[%dma_wait3A_39] : memref<53248xf32, #tpu.memory_space<vmem_shared>> -> memref<53248xf32, #tpu.memory_space<vmem_shared>>
    tpu.wait_indirect_dma semaphore(%arg27 : memref<!tpu.dma_semaphore, #tpu.memory_space<semaphore_mem>>) src(%dma_wait3A_40 : memref<53248xf32, #tpu.memory_space<vmem_shared>>) dst(%arg21 : memref<3328xf32, #tpu.memory_space<vmem>>)
    %dma_wait3A_41 = arith.constant 0 : i32
    %dma_wait3A_42 = tpu.memref_slice %arg25[%dma_wait3A_41] : memref<53248xf32, #tpu.memory_space<vmem_shared>> -> memref<53248xf32, #tpu.memory_space<vmem_shared>>
    tpu.wait_indirect_dma semaphore(%arg27 : memref<!tpu.dma_semaphore, #tpu.memory_space<semaphore_mem>>) src(%dma_wait3A_42 : memref<53248xf32, #tpu.memory_space<vmem_shared>>) dst(%arg22 : memref<3328xf32, #tpu.memory_space<vmem>>)
    %scan3A_43 = arith.constant 0 : i32
    %scan3A_44 = arith.constant 0 : i32
    %scan3A_45 = arith.constant 208 : i32
    %scan3A_46 = arith.addi %scan3A_44, %scan3A_45 : i32
    %scan3A_47 = arith.constant 1 : i32
    scf.for %scan3A_69 = %scan3A_44 to %scan3A_46 step %scan3A_47  : i32 {
      %mul3A_70 = arith.constant 16 : i32
      %mul3A_71 = arith.muli %scan3A_69, %mul3A_70 : i32
      %get3A = arith.index_cast %mul3A_71 : i32 to index
      %get3A_72 = tpu.vector_load %arg17[%get3A] {strides = array<i32>} : memref<3328xf32, #tpu.memory_space<vmem>>, vector<16xf32>,
      %get3A_73 = vector.shape_cast %get3A_72 : vector<16xf32> to vector<16xf32>
      %bitcast_convert_type3A = tpu.bitcast %get3A_73 : vector<16xf32> -> vector<16xi32>
      %shift_left3A = arith.constant 16 : i32
      %shift_left3A_74 = vector.broadcast %shift_left3A : i32 to vector<16xi32>
      %shift_left3A_75 = arith.shli %bitcast_convert_type3A, %shift_left3A_74 : vector<16xi32>
      %bitcast_convert_type3A_76 = tpu.bitcast %shift_left3A_75 : vector<16xi32> -> vector<16xf32>
      %and3A = arith.constant -65536 : i32
      %and3A_77 = vector.broadcast %and3A : i32 to vector<16xi32>
      %and3A_78 = arith.andi %bitcast_convert_type3A, %and3A_77 : vector<16xi32>
      %bitcast_convert_type3A_79 = tpu.bitcast %and3A_78 : vector<16xi32> -> vector<16xf32>
      %get3A_80 = arith.index_cast %mul3A_71 : i32 to index
      %get3A_81 = tpu.vector_load %arg18[%get3A_80] {strides = array<i32>} : memref<3328xf32, #tpu.memory_space<vmem>>, vector<16xf32>,
      %get3A_82 = vector.shape_cast %get3A_81 : vector<16xf32> to vector<16xf32>
      %bitcast_convert_type3A_83 = tpu.bitcast %get3A_82 : vector<16xf32> -> vector<16xi32>
      %shift_left3A_84 = arith.constant 16 : i32
      %shift_left3A_85 = vector.broadcast %shift_left3A_84 : i32 to vector<16xi32>
      %shift_left3A_86 = arith.shli %bitcast_convert_type3A_83, %shift_left3A_85 : vector<16xi32>
      %bitcast_convert_type3A_87 = tpu.bitcast %shift_left3A_86 : vector<16xi32> -> vector<16xf32>
      %and3A_88 = arith.constant -65536 : i32
      %and3A_89 = vector.broadcast %and3A_88 : i32 to vector<16xi32>
      %and3A_90 = arith.andi %bitcast_convert_type3A_83, %and3A_89 : vector<16xi32>
      %bitcast_convert_type3A_91 = tpu.bitcast %and3A_90 : vector<16xi32> -> vector<16xf32>
      %get3A_92 = arith.index_cast %mul3A_71 : i32 to index
      %get3A_93 = tpu.vector_load %arg21[%get3A_92] {strides = array<i32>} : memref<3328xf32, #tpu.memory_space<vmem>>, vector<16xf32>,
      %get3A_94 = vector.shape_cast %get3A_93 : vector<16xf32> to vector<16xf32>
      %get3A_95 = arith.index_cast %mul3A_71 : i32 to index
      %get3A_96 = tpu.vector_load %arg22[%get3A_95] {strides = array<i32>} : memref<3328xf32, #tpu.memory_space<vmem>>, vector<16xf32>,
      %get3A_97 = vector.shape_cast %get3A_96 : vector<16xf32> to vector<16xf32>
      %add3A_98 = arith.addf %get3A_94, %get3A_97 : vector<16xf32>
      %mul3A_99 = arith.constant 2.500000e-01 : f32
      %mul3A_100 = vector.broadcast %mul3A_99 : f32 to vector<16xf32>
      %mul3A_101 = arith.mulf %mul3A_100, %add3A_98 : vector<16xf32>
      %add3A_102 = arith.addf %bitcast_convert_type3A_76, %bitcast_convert_type3A_87 : vector<16xf32>
      %mul3A_103 = arith.mulf %add3A_102, %mul3A_101 : vector<16xf32>
      %add3A_104 = arith.addf %bitcast_convert_type3A_79, %bitcast_convert_type3A_91 : vector<16xf32>
      %mul3A_105 = arith.mulf %add3A_104, %mul3A_101 : vector<16xf32>
      %bitcast_convert_type3A_106 = tpu.bitcast %mul3A_105 : vector<16xf32> -> vector<16xi32>
      %add3A_107 = arith.constant 32767 : i32
      %add3A_108 = vector.broadcast %add3A_107 : i32 to vector<16xi32>
      %add3A_109 = arith.addi %bitcast_convert_type3A_106, %add3A_108 : vector<16xi32>
      %shift_right_arithmetic3A = arith.constant 16 : i32
      %shift_right_arithmetic3A_110 = vector.broadcast %shift_right_arithmetic3A : i32 to vector<16xi32>
      %shift_right_arithmetic3A_111 = arith.shrsi %bitcast_convert_type3A_106, %shift_right_arithmetic3A_110 : vector<16xi32>
      %and3A_112 = arith.constant 1 : i32
      %and3A_113 = vector.broadcast %and3A_112 : i32 to vector<16xi32>
      %and3A_114 = arith.andi %shift_right_arithmetic3A_111, %and3A_113 : vector<16xi32>
      %add3A_115 = arith.addi %add3A_109, %and3A_114 : vector<16xi32>
      %shift_right_arithmetic3A_116 = arith.constant 16 : i32
      %shift_right_arithmetic3A_117 = vector.broadcast %shift_right_arithmetic3A_116 : i32 to vector<16xi32>
      %shift_right_arithmetic3A_118 = arith.shrsi %add3A_115, %shift_right_arithmetic3A_117 : vector<16xi32>
      %shift_left3A_119 = arith.constant 16 : i32
      %shift_left3A_120 = vector.broadcast %shift_left3A_119 : i32 to vector<16xi32>
      %shift_left3A_121 = arith.shli %shift_right_arithmetic3A_118, %shift_left3A_120 : vector<16xi32>
      %bitcast_convert_type3A_122 = tpu.bitcast %mul3A_103 : vector<16xf32> -> vector<16xi32>
      %add3A_123 = arith.constant 32767 : i32
      %add3A_124 = vector.broadcast %add3A_123 : i32 to vector<16xi32>
      %add3A_125 = arith.addi %bitcast_convert_type3A_122, %add3A_124 : vector<16xi32>
      %shift_right_arithmetic3A_126 = arith.constant 16 : i32
      %shift_right_arithmetic3A_127 = vector.broadcast %shift_right_arithmetic3A_126 : i32 to vector<16xi32>
      %shift_right_arithmetic3A_128 = arith.shrsi %bitcast_convert_type3A_122, %shift_right_arithmetic3A_127 : vector<16xi32>
      %and3A_129 = arith.constant 1 : i32
      %and3A_130 = vector.broadcast %and3A_129 : i32 to vector<16xi32>
      %and3A_131 = arith.andi %shift_right_arithmetic3A_128, %and3A_130 : vector<16xi32>
      %add3A_132 = arith.addi %add3A_125, %and3A_131 : vector<16xi32>
      %shift_right_arithmetic3A_133 = arith.constant 16 : i32
      %shift_right_arithmetic3A_134 = vector.broadcast %shift_right_arithmetic3A_133 : i32 to vector<16xi32>
      %shift_right_arithmetic3A_135 = arith.shrsi %add3A_132, %shift_right_arithmetic3A_134 : vector<16xi32>
      %and3A_136 = arith.constant 65535 : i32
      %and3A_137 = vector.broadcast %and3A_136 : i32 to vector<16xi32>
      %and3A_138 = arith.andi %shift_right_arithmetic3A_135, %and3A_137 : vector<16xi32>
      %or3A = arith.ori %shift_left3A_121, %and3A_138 : vector<16xi32>
      %bitcast_convert_type3A_139 = tpu.bitcast %or3A : vector<16xi32> -> vector<16xf32>
      %swap3A = arith.index_cast %mul3A_71 : i32 to index
      %swap3A_140 = tpu.vector_load %arg17[%swap3A] {strides = array<i32>} : memref<3328xf32, #tpu.memory_space<vmem>>, vector<16xf32>,
      %swap3A_141 = vector.shape_cast %swap3A_140 : vector<16xf32> to vector<16xf32>
      %swap3A_142 = vector.shape_cast %bitcast_convert_type3A_139 : vector<16xf32> to vector<16xf32>
      tpu.vector_store %arg17[%swap3A], %swap3A_142 {strides = array<i32>} : memref<3328xf32, #tpu.memory_space<vmem>>, vector<16xf32>,
    }
    %scan3A_48 = arith.constant 208 : i32
    "tpu.region"() ({
      %run_scoped3A = tpu.sem_alloc : memref<!tpu.dma_semaphore, #tpu.memory_space<semaphore_mem>>
      %dma_start3A_69 = tpu.memref_slice %arg23[%mul3A_0] : memref<53248xf32, #tpu.memory_space<vmem_shared>> -> memref<3328xf32, #tpu.memory_space<vmem_shared>>
      %dma_start3A_70 = tpu.memref_slice %arg23[%mul3A_0] : memref<53248xf32, #tpu.memory_space<vmem_shared>> -> memref<3328xf32, #tpu.memory_space<vmem_shared>>
      tpu.enqueue_dma source(%arg17 : memref<3328xf32, #tpu.memory_space<vmem>>) target(%dma_start3A_70 : memref<3328xf32, #tpu.memory_space<vmem_shared>>) target_semaphore(%run_scoped3A : memref<!tpu.dma_semaphore, #tpu.memory_space<semaphore_mem>>)
      %dma_wait3A_71 = tpu.memref_slice %arg23[%mul3A_0] : memref<53248xf32, #tpu.memory_space<vmem_shared>> -> memref<3328xf32, #tpu.memory_space<vmem_shared>>
      %dma_wait3A_72 = tpu.memref_slice %arg23[%mul3A_0] : memref<53248xf32, #tpu.memory_space<vmem_shared>> -> memref<3328xf32, #tpu.memory_space<vmem_shared>>
      tpu.wait_dma2 semaphore(%run_scoped3A : memref<!tpu.dma_semaphore, #tpu.memory_space<semaphore_mem>>) src(%arg17 : memref<3328xf32, #tpu.memory_space<vmem>>) dst(%dma_wait3A_72 : memref<3328xf32, #tpu.memory_space<vmem_shared>>)
      tpu.yield
    }) : () -> ()
    %barrier3A_49 = arith.constant 0 : index
    tpu.barrier barrier_id(%barrier3A_49)
    "tpu.region"() ({
      %run_scoped3A = tpu.sem_alloc : memref<!tpu.dma_semaphore, #tpu.memory_space<semaphore_mem>>
      %dma_start3A_69 = tpu.memref_slice %arg9[%add3A] : memref<106496xi32, #tpu.memory_space<hbm>> -> memref<3328xi32, #tpu.memory_space<hbm>>
      %dma_start3A_70 = tpu.memref_slice %arg9[%add3A] : memref<106496xi32, #tpu.memory_space<hbm>> -> memref<3328xi32, #tpu.memory_space<hbm>>
      tpu.enqueue_dma source(%dma_start3A_70 : memref<3328xi32, #tpu.memory_space<hbm>>) target(%arg15 : memref<3328xi32, #tpu.memory_space<vmem>>) target_semaphore(%run_scoped3A : memref<!tpu.dma_semaphore, #tpu.memory_space<semaphore_mem>>)
      %dma_wait3A_71 = tpu.memref_slice %arg9[%add3A] : memref<106496xi32, #tpu.memory_space<hbm>> -> memref<3328xi32, #tpu.memory_space<hbm>>
      %dma_wait3A_72 = tpu.memref_slice %arg9[%add3A] : memref<106496xi32, #tpu.memory_space<hbm>> -> memref<3328xi32, #tpu.memory_space<hbm>>
      tpu.wait_dma2 semaphore(%run_scoped3A : memref<!tpu.dma_semaphore, #tpu.memory_space<semaphore_mem>>) src(%dma_wait3A_72 : memref<3328xi32, #tpu.memory_space<hbm>>) dst(%arg15 : memref<3328xi32, #tpu.memory_space<vmem>>)
      tpu.yield
    }) : () -> ()
    "tpu.region"() ({
      %run_scoped3A = tpu.sem_alloc : memref<!tpu.dma_semaphore, #tpu.memory_space<semaphore_mem>>
      %dma_start3A_69 = tpu.memref_slice %arg10[%add3A] : memref<106496xi32, #tpu.memory_space<hbm>> -> memref<3328xi32, #tpu.memory_space<hbm>>
      %dma_start3A_70 = tpu.memref_slice %arg10[%add3A] : memref<106496xi32, #tpu.memory_space<hbm>> -> memref<3328xi32, #tpu.memory_space<hbm>>
      tpu.enqueue_dma source(%dma_start3A_70 : memref<3328xi32, #tpu.memory_space<hbm>>) target(%arg16 : memref<3328xi32, #tpu.memory_space<vmem>>) target_semaphore(%run_scoped3A : memref<!tpu.dma_semaphore, #tpu.memory_space<semaphore_mem>>)
      %dma_wait3A_71 = tpu.memref_slice %arg10[%add3A] : memref<106496xi32, #tpu.memory_space<hbm>> -> memref<3328xi32, #tpu.memory_space<hbm>>
      %dma_wait3A_72 = tpu.memref_slice %arg10[%add3A] : memref<106496xi32, #tpu.memory_space<hbm>> -> memref<3328xi32, #tpu.memory_space<hbm>>
      tpu.wait_dma2 semaphore(%run_scoped3A : memref<!tpu.dma_semaphore, #tpu.memory_space<semaphore_mem>>) src(%dma_wait3A_72 : memref<3328xi32, #tpu.memory_space<hbm>>) dst(%arg16 : memref<3328xi32, #tpu.memory_space<vmem>>)
      tpu.yield
    }) : () -> ()
    %dma_start3A_50 = arith.constant 0 : i32
    %dma_start3A_51 = tpu.memref_slice %arg23[%dma_start3A_50] : memref<53248xf32, #tpu.memory_space<vmem_shared>> -> memref<53248xf32, #tpu.memory_space<vmem_shared>>
    tpu.enqueue_indirect_dma source(%dma_start3A_51 : memref<53248xf32, #tpu.memory_space<vmem_shared>>) target(%arg19 : memref<3328xf32, #tpu.memory_space<vmem>>) offsets(%arg15 : memref<3328xi32, #tpu.memory_space<vmem>>) semaphore(%arg27 : memref<!tpu.dma_semaphore, #tpu.memory_space<semaphore_mem>>)
    %dma_start3A_52 = arith.constant 0 : i32
    %dma_start3A_53 = tpu.memref_slice %arg23[%dma_start3A_52] : memref<53248xf32, #tpu.memory_space<vmem_shared>> -> memref<53248xf32, #tpu.memory_space<vmem_shared>>
    tpu.enqueue_indirect_dma source(%dma_start3A_53 : memref<53248xf32, #tpu.memory_space<vmem_shared>>) target(%arg20 : memref<3328xf32, #tpu.memory_space<vmem>>) offsets(%arg16 : memref<3328xi32, #tpu.memory_space<vmem>>) semaphore(%arg27 : memref<!tpu.dma_semaphore, #tpu.memory_space<semaphore_mem>>)
    "tpu.region"() ({
      %run_scoped3A = tpu.sem_alloc : memref<!tpu.dma_semaphore, #tpu.memory_space<semaphore_mem>>
      %dma_start3A_69 = tpu.memref_slice %arg11[%mul3A_0] : memref<53248xf32, #tpu.memory_space<hbm>> -> memref<3328xf32, #tpu.memory_space<hbm>>
      %dma_start3A_70 = tpu.memref_slice %arg11[%mul3A_0] : memref<53248xf32, #tpu.memory_space<hbm>> -> memref<3328xf32, #tpu.memory_space<hbm>>
      tpu.enqueue_dma source(%dma_start3A_70 : memref<3328xf32, #tpu.memory_space<hbm>>) target(%arg17 : memref<3328xf32, #tpu.memory_space<vmem>>) target_semaphore(%run_scoped3A : memref<!tpu.dma_semaphore, #tpu.memory_space<semaphore_mem>>)
      %dma_wait3A_71 = tpu.memref_slice %arg11[%mul3A_0] : memref<53248xf32, #tpu.memory_space<hbm>> -> memref<3328xf32, #tpu.memory_space<hbm>>
      %dma_wait3A_72 = tpu.memref_slice %arg11[%mul3A_0] : memref<53248xf32, #tpu.memory_space<hbm>> -> memref<3328xf32, #tpu.memory_space<hbm>>
      tpu.wait_dma2 semaphore(%run_scoped3A : memref<!tpu.dma_semaphore, #tpu.memory_space<semaphore_mem>>) src(%dma_wait3A_72 : memref<3328xf32, #tpu.memory_space<hbm>>) dst(%arg17 : memref<3328xf32, #tpu.memory_space<vmem>>)
      tpu.yield
    }) : () -> ()
    "tpu.region"() ({
      %run_scoped3A = tpu.sem_alloc : memref<!tpu.dma_semaphore, #tpu.memory_space<semaphore_mem>>
      %dma_start3A_69 = tpu.memref_slice %arg12[%mul3A_0] : memref<53248xf32, #tpu.memory_space<hbm>> -> memref<3328xf32, #tpu.memory_space<hbm>>
      %dma_start3A_70 = tpu.memref_slice %arg12[%mul3A_0] : memref<53248xf32, #tpu.memory_space<hbm>> -> memref<3328xf32, #tpu.memory_space<hbm>>
      tpu.enqueue_dma source(%dma_start3A_70 : memref<3328xf32, #tpu.memory_space<hbm>>) target(%arg18 : memref<3328xf32, #tpu.memory_space<vmem>>) target_semaphore(%run_scoped3A : memref<!tpu.dma_semaphore, #tpu.memory_space<semaphore_mem>>)
      %dma_wait3A_71 = tpu.memref_slice %arg12[%mul3A_0] : memref<53248xf32, #tpu.memory_space<hbm>> -> memref<3328xf32, #tpu.memory_space<hbm>>
      %dma_wait3A_72 = tpu.memref_slice %arg12[%mul3A_0] : memref<53248xf32, #tpu.memory_space<hbm>> -> memref<3328xf32, #tpu.memory_space<hbm>>
      tpu.wait_dma2 semaphore(%run_scoped3A : memref<!tpu.dma_semaphore, #tpu.memory_space<semaphore_mem>>) src(%dma_wait3A_72 : memref<3328xf32, #tpu.memory_space<hbm>>) dst(%arg18 : memref<3328xf32, #tpu.memory_space<vmem>>)
      tpu.yield
    }) : () -> ()
    %dma_wait3A_54 = arith.constant 0 : i32
    %dma_wait3A_55 = tpu.memref_slice %arg23[%dma_wait3A_54] : memref<53248xf32, #tpu.memory_space<vmem_shared>> -> memref<53248xf32, #tpu.memory_space<vmem_shared>>
    tpu.wait_indirect_dma semaphore(%arg27 : memref<!tpu.dma_semaphore, #tpu.memory_space<semaphore_mem>>) src(%dma_wait3A_55 : memref<53248xf32, #tpu.memory_space<vmem_shared>>) dst(%arg19 : memref<3328xf32, #tpu.memory_space<vmem>>)
    %dma_wait3A_56 = arith.constant 0 : i32
    %dma_wait3A_57 = tpu.memref_slice %arg23[%dma_wait3A_56] : memref<53248xf32, #tpu.memory_space<vmem_shared>> -> memref<53248xf32, #tpu.memory_space<vmem_shared>>
    tpu.wait_indirect_dma semaphore(%arg27 : memref<!tpu.dma_semaphore, #tpu.memory_space<semaphore_mem>>) src(%dma_wait3A_57 : memref<53248xf32, #tpu.memory_space<vmem_shared>>) dst(%arg20 : memref<3328xf32, #tpu.memory_space<vmem>>)
    %eq3A = arith.constant 0 : i32
    %eq3A_58 = arith.cmpi eq, %arg0, %eq3A : i32
    %jit3A = arith.constant 1.000000e+00 : f32
    %jit3A_59 = arith.constant 0.000000e+00 : f32
    %select_n3A = arith.select %eq3A_58, %jit3A, %jit3A_59 : f32
    %broadcast_in_dim3A = arith.constant 0.000000e+00 : f32
    %broadcast_in_dim3A_60 = vector.broadcast %broadcast_in_dim3A : f32 to vector<16xf32>
    %add3A_61 = vector.broadcast %select_n3A : f32 to vector<16xf32>
    %add3A_62 = arith.addf %add3A_61, %broadcast_in_dim3A_60 : vector<16xf32>
    %scan3A_63 = arith.constant 0 : i32
    %scan3A_64 = arith.constant 0 : i32
    %scan3A_65 = arith.constant 208 : i32
    %scan3A_66 = arith.addi %scan3A_64, %scan3A_65 : i32
    %scan3A_67 = arith.constant 1 : i32
    scf.for %scan3A_69 = %scan3A_64 to %scan3A_66 step %scan3A_67  : i32 {
      %mul3A_70 = arith.constant 16 : i32
      %mul3A_71 = arith.muli %scan3A_69, %mul3A_70 : i32
      %get3A = arith.index_cast %mul3A_71 : i32 to index
      %get3A_72 = tpu.vector_load %arg19[%get3A] {strides = array<i32>} : memref<3328xf32, #tpu.memory_space<vmem>>, vector<16xf32>,
      %get3A_73 = vector.shape_cast %get3A_72 : vector<16xf32> to vector<16xf32>
      %bitcast_convert_type3A = tpu.bitcast %get3A_73 : vector<16xf32> -> vector<16xi32>
      %shift_left3A = arith.constant 16 : i32
      %shift_left3A_74 = vector.broadcast %shift_left3A : i32 to vector<16xi32>
      %shift_left3A_75 = arith.shli %bitcast_convert_type3A, %shift_left3A_74 : vector<16xi32>
      %bitcast_convert_type3A_76 = tpu.bitcast %shift_left3A_75 : vector<16xi32> -> vector<16xf32>
      %and3A = arith.constant -65536 : i32
      %and3A_77 = vector.broadcast %and3A : i32 to vector<16xi32>
      %and3A_78 = arith.andi %bitcast_convert_type3A, %and3A_77 : vector<16xi32>
      %bitcast_convert_type3A_79 = tpu.bitcast %and3A_78 : vector<16xi32> -> vector<16xf32>
      %get3A_80 = arith.index_cast %mul3A_71 : i32 to index
      %get3A_81 = tpu.vector_load %arg20[%get3A_80] {strides = array<i32>} : memref<3328xf32, #tpu.memory_space<vmem>>, vector<16xf32>,
      %get3A_82 = vector.shape_cast %get3A_81 : vector<16xf32> to vector<16xf32>
      %bitcast_convert_type3A_83 = tpu.bitcast %get3A_82 : vector<16xf32> -> vector<16xi32>
      %shift_left3A_84 = arith.constant 16 : i32
      %shift_left3A_85 = vector.broadcast %shift_left3A_84 : i32 to vector<16xi32>
      %shift_left3A_86 = arith.shli %bitcast_convert_type3A_83, %shift_left3A_85 : vector<16xi32>
      %bitcast_convert_type3A_87 = tpu.bitcast %shift_left3A_86 : vector<16xi32> -> vector<16xf32>
      %and3A_88 = arith.constant -65536 : i32
      %and3A_89 = vector.broadcast %and3A_88 : i32 to vector<16xi32>
      %and3A_90 = arith.andi %bitcast_convert_type3A_83, %and3A_89 : vector<16xi32>
      %bitcast_convert_type3A_91 = tpu.bitcast %and3A_90 : vector<16xi32> -> vector<16xf32>
      %get3A_92 = arith.index_cast %mul3A_71 : i32 to index
      %get3A_93 = tpu.vector_load %arg18[%get3A_92] {strides = array<i32>} : memref<3328xf32, #tpu.memory_space<vmem>>, vector<16xf32>,
      %get3A_94 = vector.shape_cast %get3A_93 : vector<16xf32> to vector<16xf32>
      %get3A_95 = arith.index_cast %mul3A_71 : i32 to index
      %get3A_96 = tpu.vector_load %arg17[%get3A_95] {strides = array<i32>} : memref<3328xf32, #tpu.memory_space<vmem>>, vector<16xf32>,
      %get3A_97 = vector.shape_cast %get3A_96 : vector<16xf32> to vector<16xf32>
      %mul3A_98 = arith.mulf %get3A_97, %add3A_62 : vector<16xf32>
      %sub3A = arith.subf %bitcast_convert_type3A_87, %bitcast_convert_type3A_76 : vector<16xf32>
      %mul3A_99 = arith.mulf %get3A_94, %sub3A : vector<16xf32>
      %add3A_100 = arith.addf %mul3A_98, %mul3A_99 : vector<16xf32>
      %sub3A_101 = arith.constant 1.000000e+00 : f32
      %sub3A_102 = vector.broadcast %sub3A_101 : f32 to vector<16xf32>
      %sub3A_103 = arith.subf %sub3A_102, %get3A_94 : vector<16xf32>
      %sub3A_104 = arith.subf %bitcast_convert_type3A_91, %bitcast_convert_type3A_79 : vector<16xf32>
      %mul3A_105 = arith.mulf %sub3A_103, %sub3A_104 : vector<16xf32>
      %add3A_106 = arith.addf %add3A_100, %mul3A_105 : vector<16xf32>
      %swap3A = arith.index_cast %mul3A_71 : i32 to index
      %swap3A_107 = tpu.vector_load %arg19[%swap3A] {strides = array<i32>} : memref<3328xf32, #tpu.memory_space<vmem>>, vector<16xf32>,
      %swap3A_108 = vector.shape_cast %swap3A_107 : vector<16xf32> to vector<16xf32>
      %swap3A_109 = vector.shape_cast %add3A_106 : vector<16xf32> to vector<16xf32>
      tpu.vector_store %arg19[%swap3A], %swap3A_109 {strides = array<i32>} : memref<3328xf32, #tpu.memory_space<vmem>>, vector<16xf32>,
    }
    %scan3A_68 = arith.constant 208 : i32
    "tpu.region"() ({
      %run_scoped3A = tpu.sem_alloc : memref<!tpu.dma_semaphore, #tpu.memory_space<semaphore_mem>>
      %dma_start3A_69 = tpu.memref_slice %arg13[%add3A] : memref<106496xf32, #tpu.memory_space<hbm>> -> memref<3328xf32, #tpu.memory_space<hbm>>
      %dma_start3A_70 = tpu.memref_slice %arg13[%add3A] : memref<106496xf32, #tpu.memory_space<hbm>> -> memref<3328xf32, #tpu.memory_space<hbm>>
      tpu.enqueue_dma source(%arg19 : memref<3328xf32, #tpu.memory_space<vmem>>) target(%dma_start3A_70 : memref<3328xf32, #tpu.memory_space<hbm>>) target_semaphore(%run_scoped3A : memref<!tpu.dma_semaphore, #tpu.memory_space<semaphore_mem>>)
      %dma_wait3A_71 = tpu.memref_slice %arg13[%add3A] : memref<106496xf32, #tpu.memory_space<hbm>> -> memref<3328xf32, #tpu.memory_space<hbm>>
      %dma_wait3A_72 = tpu.memref_slice %arg13[%add3A] : memref<106496xf32, #tpu.memory_space<hbm>> -> memref<3328xf32, #tpu.memory_space<hbm>>
      tpu.wait_dma2 semaphore(%run_scoped3A : memref<!tpu.dma_semaphore, #tpu.memory_space<semaphore_mem>>) src(%arg19 : memref<3328xf32, #tpu.memory_space<vmem>>) dst(%dma_wait3A_72 : memref<3328xf32, #tpu.memory_space<hbm>>)
      tpu.yield
    }) : () -> ()
    return
  }
}

module attributes {stable_mosaic.version = 14 : i64} {
  func.func @_prep_body(%arg0: memref<1x4xf32, #tpu.memory_space<smem>>, %arg1: memref<53248xf32, #tpu.memory_space<vmem>>, %arg2: memref<53248xi32, #tpu.memory_space<vmem>>, %arg3: memref<53248xf32, #tpu.memory_space<vmem>>, %arg4: memref<53248xf32, #tpu.memory_space<vmem>>, %arg5: memref<53248xf32, #tpu.memory_space<vmem>>, %arg6: memref<53248xi32, #tpu.memory_space<vmem>>, %arg7: memref<53248xf32, #tpu.memory_space<vmem>>, %arg8: memref<53248xf32, #tpu.memory_space<vmem>>, %arg9: memref<53248xf32, #tpu.memory_space<vmem>>, %arg10: memref<53248xf32, #tpu.memory_space<vmem>>, %arg11: memref<53248xf32, #tpu.memory_space<vmem>>, %arg12: memref<53248xf32, #tpu.memory_space<vmem>>, %arg13: memref<53248xf32, #tpu.memory_space<vmem>>, %arg14: memref<53248xi32, #tpu.memory_space<vmem>>, %arg15: memref<53248xf32, #tpu.memory_space<vmem>>, %arg16: memref<53248xf32, #tpu.memory_space<vmem>>, %arg17: memref<53248xf32, #tpu.memory_space<vmem>>, %arg18: memref<53248xf32, #tpu.memory_space<vmem>>, %arg19: memref<53248xf32, #tpu.memory_space<vmem>>, %arg20: memref<53248xf32, #tpu.memory_space<vmem>>, %arg21: memref<53248xf32, #tpu.memory_space<vmem>>, %arg22: memref<53248xf32, #tpu.memory_space<vmem>>) attributes {dimension_semantics = [], scalar_prefetch = 0 : i64, scratch_operands = 0 : i64, tpu.core_type = #tpu.core_type<tc>} {
    %get3A = arith.constant 0 : index
    %get3A_0 = vector.load %arg1[%get3A] : memref<53248xf32, #tpu.memory_space<vmem>>, vector<53248xf32>
    %mul3A = arith.constant 5.000000e-01 : f32
    %mul3A_1 = vector.broadcast %mul3A : f32 to vector<53248xf32>
    %mul3A_2 = arith.mulf %get3A_0, %mul3A_1 : vector<53248xf32>
    %tanh3A = math.tanh %mul3A_2 : vector<53248xf32>
    %neg3A = arith.constant 0.000000e+00 : f32
    %neg3A_3 = vector.broadcast %neg3A : f32 to vector<53248xf32>
    %neg3A_4 = arith.subf %neg3A_3, %tanh3A : vector<53248xf32>
    %get3A_5 = arith.constant 0 : index
    %get3A_6 = vector.load %arg2[%get3A_5] : memref<53248xi32, #tpu.memory_space<vmem>>, vector<53248xi32>
    %eq3A = arith.constant 1 : i32
    %eq3A_7 = vector.broadcast %eq3A : i32 to vector<53248xi32>
    %eq3A_8 = arith.cmpi eq, %get3A_6, %eq3A_7 : vector<53248xi32>
    %get3A_9 = arith.constant 0 : index
    %get3A_10 = vector.load %arg2[%get3A_9] : memref<53248xi32, #tpu.memory_space<vmem>>, vector<53248xi32>
    %eq3A_11 = arith.constant 2 : i32
    %eq3A_12 = vector.broadcast %eq3A_11 : i32 to vector<53248xi32>
    %eq3A_13 = arith.cmpi eq, %get3A_10, %eq3A_12 : vector<53248xi32>
    %or3A = arith.ori %eq3A_8, %eq3A_13 : vector<53248xi1>
    %jit3A = arith.constant 0x7F800000 : f32
    %broadcast_in_dim3A = vector.broadcast %jit3A : f32 to vector<53248xf32>
    %select_n3A = arith.select %or3A, %neg3A_4, %broadcast_in_dim3A : vector<53248xi1>, vector<53248xf32>
    %swap3A = arith.constant 0 : index
    %swap3A_14 = vector.load %arg15[%swap3A] : memref<53248xf32, #tpu.memory_space<vmem>>, vector<53248xf32>
    tpu.vector_store %arg15[%swap3A], %select_n3A {strides = array<i32>} : memref<53248xf32, #tpu.memory_space<vmem>>, vector<53248xf32>,
    %get3A_15 = arith.constant 0 : index
    %get3A_16 = vector.load %arg4[%get3A_15] : memref<53248xf32, #tpu.memory_space<vmem>>, vector<53248xf32>
    %select_n3A_17 = arith.select %or3A, %neg3A_4, %get3A_16 : vector<53248xi1>, vector<53248xf32>
    %swap3A_18 = arith.constant 0 : index
    %swap3A_19 = vector.load %arg16[%swap3A_18] : memref<53248xf32, #tpu.memory_space<vmem>>, vector<53248xf32>
    tpu.vector_store %arg16[%swap3A_18], %select_n3A_17 {strides = array<i32>} : memref<53248xf32, #tpu.memory_space<vmem>>, vector<53248xf32>,
    %get3A_20 = arith.constant 0 : index
    %get3A_21 = vector.load %arg4[%get3A_20] : memref<53248xf32, #tpu.memory_space<vmem>>, vector<53248xf32>
    %get3A_22 = arith.constant 0 : index
    %get3A_23 = vector.load %arg3[%get3A_22] : memref<53248xf32, #tpu.memory_space<vmem>>, vector<53248xf32>
    %sub3A = arith.subf %get3A_21, %get3A_23 : vector<53248xf32>
    %mul3A_24 = arith.constant 6.400000e+01 : f32
    %mul3A_25 = vector.broadcast %mul3A_24 : f32 to vector<53248xf32>
    %mul3A_26 = arith.mulf %sub3A, %mul3A_25 : vector<53248xf32>
    %get3A_27 = arith.constant 0 : index
    %get3A_28 = vector.load %arg5[%get3A_27] : memref<53248xf32, #tpu.memory_space<vmem>>, vector<53248xf32>
    %div3A = arith.divf %mul3A_26, %get3A_28 : vector<53248xf32>
    %swap3A_29 = arith.constant 0 : index
    %swap3A_30 = vector.load %arg17[%swap3A_29] : memref<53248xf32, #tpu.memory_space<vmem>>, vector<53248xf32>
    tpu.vector_store %arg17[%swap3A_29], %div3A {strides = array<i32>} : memref<53248xf32, #tpu.memory_space<vmem>>, vector<53248xf32>,
    %get3A_31 = arith.constant 0 : index
    %get3A_32 = vector.load %arg6[%get3A_31] : memref<53248xi32, #tpu.memory_space<vmem>>, vector<53248xi32>
    %get3A_33 = arith.constant 0 : index
    %get3A_34 = arith.constant 0 : index
    %get3A_35 = memref.load %arg0[%get3A_33, %get3A_34] : memref<1x4xf32, #tpu.memory_space<smem>>
    %get3A_36 = arith.constant 0 : index
    %get3A_37 = arith.constant 1 : index
    %get3A_38 = memref.load %arg0[%get3A_36, %get3A_37] : memref<1x4xf32, #tpu.memory_space<smem>>
    %get3A_39 = arith.constant 0 : index
    %get3A_40 = arith.constant 2 : index
    %get3A_41 = memref.load %arg0[%get3A_39, %get3A_40] : memref<1x4xf32, #tpu.memory_space<smem>>
    %get3A_42 = arith.constant 0 : index
    %get3A_43 = arith.constant 3 : index
    %get3A_44 = memref.load %arg0[%get3A_42, %get3A_43] : memref<1x4xf32, #tpu.memory_space<smem>>
    %eq3A_45 = arith.constant 0 : i32
    %eq3A_46 = vector.broadcast %eq3A_45 : i32 to vector<53248xi32>
    %eq3A_47 = arith.cmpi eq, %get3A_32, %eq3A_46 : vector<53248xi32>
    %eq3A_48 = arith.constant 1 : i32
    %eq3A_49 = vector.broadcast %eq3A_48 : i32 to vector<53248xi32>
    %eq3A_50 = arith.cmpi eq, %get3A_32, %eq3A_49 : vector<53248xi32>
    %eq3A_51 = arith.constant 2 : i32
    %eq3A_52 = vector.broadcast %eq3A_51 : i32 to vector<53248xi32>
    %eq3A_53 = arith.cmpi eq, %get3A_32, %eq3A_52 : vector<53248xi32>
    %broadcast_in_dim3A_54 = vector.broadcast %get3A_41 : f32 to vector<53248xf32>
    %broadcast_in_dim3A_55 = vector.broadcast %get3A_44 : f32 to vector<53248xf32>
    %select_n3A_56 = arith.select %eq3A_53, %broadcast_in_dim3A_54, %broadcast_in_dim3A_55 : vector<53248xi1>, vector<53248xf32>
    %broadcast_in_dim3A_57 = vector.broadcast %get3A_38 : f32 to vector<53248xf32>
    %select_n3A_58 = arith.select %eq3A_50, %broadcast_in_dim3A_57, %select_n3A_56 : vector<53248xi1>, vector<53248xf32>
    %broadcast_in_dim3A_59 = vector.broadcast %get3A_35 : f32 to vector<53248xf32>
    %select_n3A_60 = arith.select %eq3A_47, %broadcast_in_dim3A_59, %select_n3A_58 : vector<53248xi1>, vector<53248xf32>
    %swap3A_61 = arith.constant 0 : index
    %swap3A_62 = vector.load %arg18[%swap3A_61] : memref<53248xf32, #tpu.memory_space<vmem>>, vector<53248xf32>
    tpu.vector_store %arg18[%swap3A_61], %select_n3A_60 {strides = array<i32>} : memref<53248xf32, #tpu.memory_space<vmem>>, vector<53248xf32>,
    %get3A_63 = arith.constant 0 : index
    %get3A_64 = vector.load %arg7[%get3A_63] : memref<53248xf32, #tpu.memory_space<vmem>>, vector<53248xf32>
    %get3A_65 = arith.constant 0 : index
    %get3A_66 = vector.load %arg8[%get3A_65] : memref<53248xf32, #tpu.memory_space<vmem>>, vector<53248xf32>
    %mul3A_67 = arith.mulf %get3A_64, %get3A_64 : vector<53248xf32>
    %mul3A_68 = arith.mulf %get3A_66, %get3A_66 : vector<53248xf32>
    %add3A = arith.addf %mul3A_67, %mul3A_68 : vector<53248xf32>
    %sqrt3A = math.sqrt %add3A : vector<53248xf32>
    %neg3A_69 = arith.constant 0.000000e+00 : f32
    %neg3A_70 = vector.broadcast %neg3A_69 : f32 to vector<53248xf32>
    %neg3A_71 = arith.subf %neg3A_70, %sqrt3A : vector<53248xf32>
    %exp3A = math.exp %neg3A_71 : vector<53248xf32>
    %mul3A_72 = arith.mulf %exp3A, %exp3A : vector<53248xf32>
    %mul3A_73 = arith.constant 2.000000e+00 : f32
    %mul3A_74 = vector.broadcast %mul3A_73 : f32 to vector<53248xf32>
    %mul3A_75 = arith.mulf %mul3A_74, %exp3A : vector<53248xf32>
    %add3A_76 = arith.constant 1.000000e+00 : f32
    %add3A_77 = vector.broadcast %add3A_76 : f32 to vector<53248xf32>
    %add3A_78 = arith.addf %add3A_77, %mul3A_72 : vector<53248xf32>
    %div3A_79 = arith.divf %mul3A_75, %add3A_78 : vector<53248xf32>
    %mul3A_80 = arith.mulf %div3A_79, %div3A_79 : vector<53248xf32>
    %sub3A_81 = arith.constant 1.000000e+00 : f32
    %sub3A_82 = vector.broadcast %sub3A_81 : f32 to vector<53248xf32>
    %sub3A_83 = arith.subf %sub3A_82, %mul3A_72 : vector<53248xf32>
    %add3A_84 = arith.constant 1.000000e+00 : f32
    %add3A_85 = vector.broadcast %add3A_84 : f32 to vector<53248xf32>
    %add3A_86 = arith.addf %add3A_85, %mul3A_72 : vector<53248xf32>
    %div3A_87 = arith.divf %sub3A_83, %add3A_86 : vector<53248xf32>
    %mul3A_88 = arith.mulf %mul3A_80, %div3A_87 : vector<53248xf32>
    %gt3A = arith.constant 9.99999996E-13 : f32
    %gt3A_89 = vector.broadcast %gt3A : f32 to vector<53248xf32>
    %gt3A_90 = arith.cmpf ogt, %sqrt3A, %gt3A_89 : vector<53248xf32>
    %jit3A_91 = arith.constant 1.000000e+00 : f32
    %broadcast_in_dim3A_92 = vector.broadcast %jit3A_91 : f32 to vector<53248xf32>
    %select_n3A_93 = arith.select %gt3A_90, %sqrt3A, %broadcast_in_dim3A_92 : vector<53248xi1>, vector<53248xf32>
    %div3A_94 = arith.divf %mul3A_88, %select_n3A_93 : vector<53248xf32>
    %div3A_95 = arith.constant 3.850000e-01 : f32
    %div3A_96 = vector.broadcast %div3A_95 : f32 to vector<53248xf32>
    %div3A_97 = arith.divf %div3A_94, %div3A_96 : vector<53248xf32>
    %jit3A_98 = arith.constant 0.000000e+00 : f32
    %broadcast_in_dim3A_99 = vector.broadcast %jit3A_98 : f32 to vector<53248xf32>
    %select_n3A_100 = arith.select %gt3A_90, %div3A_97, %broadcast_in_dim3A_99 : vector<53248xi1>, vector<53248xf32>
    %neg3A_101 = arith.constant 0.000000e+00 : f32
    %neg3A_102 = vector.broadcast %neg3A_101 : f32 to vector<53248xf32>
    %neg3A_103 = arith.subf %neg3A_102, %select_n3A_100 : vector<53248xf32>
    %mul3A_104 = arith.mulf %neg3A_103, %get3A_66 : vector<53248xf32>
    %mul3A_105 = arith.mulf %select_n3A_100, %get3A_64 : vector<53248xf32>
    %get3A_106 = arith.constant 0 : index
    %get3A_107 = vector.load %arg9[%get3A_106] : memref<53248xf32, #tpu.memory_space<vmem>>, vector<53248xf32>
    %mul3A_108 = arith.mulf %mul3A_104, %get3A_107 : vector<53248xf32>
    %get3A_109 = arith.constant 0 : index
    %get3A_110 = vector.load %arg10[%get3A_109] : memref<53248xf32, #tpu.memory_space<vmem>>, vector<53248xf32>
    %mul3A_111 = arith.mulf %mul3A_105, %get3A_110 : vector<53248xf32>
    %add3A_112 = arith.addf %mul3A_108, %mul3A_111 : vector<53248xf32>
    %get3A_113 = arith.constant 0 : index
    %get3A_114 = vector.load %arg13[%get3A_113] : memref<53248xf32, #tpu.memory_space<vmem>>, vector<53248xf32>
    %div3A_115 = arith.divf %add3A_112, %get3A_114 : vector<53248xf32>
    %swap3A_116 = arith.constant 0 : index
    %swap3A_117 = vector.load %arg19[%swap3A_116] : memref<53248xf32, #tpu.memory_space<vmem>>, vector<53248xf32>
    tpu.vector_store %arg19[%swap3A_116], %div3A_115 {strides = array<i32>} : memref<53248xf32, #tpu.memory_space<vmem>>, vector<53248xf32>,
    %get3A_118 = arith.constant 0 : index
    %get3A_119 = vector.load %arg11[%get3A_118] : memref<53248xf32, #tpu.memory_space<vmem>>, vector<53248xf32>
    %mul3A_120 = arith.mulf %mul3A_104, %get3A_119 : vector<53248xf32>
    %get3A_121 = arith.constant 0 : index
    %get3A_122 = vector.load %arg12[%get3A_121] : memref<53248xf32, #tpu.memory_space<vmem>>, vector<53248xf32>
    %mul3A_123 = arith.mulf %mul3A_105, %get3A_122 : vector<53248xf32>
    %add3A_124 = arith.addf %mul3A_120, %mul3A_123 : vector<53248xf32>
    %get3A_125 = arith.constant 0 : index
    %get3A_126 = vector.load %arg13[%get3A_125] : memref<53248xf32, #tpu.memory_space<vmem>>, vector<53248xf32>
    %div3A_127 = arith.divf %add3A_124, %get3A_126 : vector<53248xf32>
    %swap3A_128 = arith.constant 0 : index
    %swap3A_129 = vector.load %arg20[%swap3A_128] : memref<53248xf32, #tpu.memory_space<vmem>>, vector<53248xf32>
    tpu.vector_store %arg20[%swap3A_128], %div3A_127 {strides = array<i32>} : memref<53248xf32, #tpu.memory_space<vmem>>, vector<53248xf32>,
    %get3A_130 = arith.constant 0 : index
    %get3A_131 = vector.load %arg14[%get3A_130] : memref<53248xi32, #tpu.memory_space<vmem>>, vector<53248xi32>
    %eq3A_132 = arith.constant 1 : i32
    %eq3A_133 = vector.broadcast %eq3A_132 : i32 to vector<53248xi32>
    %eq3A_134 = arith.cmpi eq, %get3A_131, %eq3A_133 : vector<53248xi32>
    %get3A_135 = arith.constant 0 : index
    %get3A_136 = vector.load %arg14[%get3A_135] : memref<53248xi32, #tpu.memory_space<vmem>>, vector<53248xi32>
    %eq3A_137 = arith.constant 2 : i32
    %eq3A_138 = vector.broadcast %eq3A_137 : i32 to vector<53248xi32>
    %eq3A_139 = arith.cmpi eq, %get3A_136, %eq3A_138 : vector<53248xi32>
    %or3A_140 = arith.ori %eq3A_134, %eq3A_139 : vector<53248xi1>
    %jit3A_141 = arith.constant 1.000000e+00 : f32
    %jit3A_142 = arith.constant 0.000000e+00 : f32
    %broadcast_in_dim3A_143 = vector.broadcast %jit3A_141 : f32 to vector<53248xf32>
    %broadcast_in_dim3A_144 = vector.broadcast %jit3A_142 : f32 to vector<53248xf32>
    %select_n3A_145 = arith.select %or3A_140, %broadcast_in_dim3A_143, %broadcast_in_dim3A_144 : vector<53248xi1>, vector<53248xf32>
    %swap3A_146 = arith.constant 0 : index
    %swap3A_147 = vector.load %arg21[%swap3A_146] : memref<53248xf32, #tpu.memory_space<vmem>>, vector<53248xf32>
    tpu.vector_store %arg21[%swap3A_146], %select_n3A_145 {strides = array<i32>} : memref<53248xf32, #tpu.memory_space<vmem>>, vector<53248xf32>,
    %get3A_148 = arith.constant 0 : index
    %get3A_149 = vector.load %arg3[%get3A_148] : memref<53248xf32, #tpu.memory_space<vmem>>, vector<53248xf32>
    %get3A_150 = arith.constant 0 : index
    %get3A_151 = vector.load %arg4[%get3A_150] : memref<53248xf32, #tpu.memory_space<vmem>>, vector<53248xf32>
    %bitcast_convert_type3A = tpu.bitcast %get3A_151 : vector<53248xf32> -> vector<53248xi32>
    %add3A_152 = arith.constant 32767 : i32
    %add3A_153 = vector.broadcast %add3A_152 : i32 to vector<53248xi32>
    %add3A_154 = arith.addi %bitcast_convert_type3A, %add3A_153 : vector<53248xi32>
    %shift_right_arithmetic3A = arith.constant 16 : i32
    %shift_right_arithmetic3A_155 = vector.broadcast %shift_right_arithmetic3A : i32 to vector<53248xi32>
    %shift_right_arithmetic3A_156 = arith.shrsi %bitcast_convert_type3A, %shift_right_arithmetic3A_155 : vector<53248xi32>
    %and3A = arith.constant 1 : i32
    %and3A_157 = vector.broadcast %and3A : i32 to vector<53248xi32>
    %and3A_158 = arith.andi %shift_right_arithmetic3A_156, %and3A_157 : vector<53248xi32>
    %add3A_159 = arith.addi %add3A_154, %and3A_158 : vector<53248xi32>
    %shift_right_arithmetic3A_160 = arith.constant 16 : i32
    %shift_right_arithmetic3A_161 = vector.broadcast %shift_right_arithmetic3A_160 : i32 to vector<53248xi32>
    %shift_right_arithmetic3A_162 = arith.shrsi %add3A_159, %shift_right_arithmetic3A_161 : vector<53248xi32>
    %shift_left3A = arith.constant 16 : i32
    %shift_left3A_163 = vector.broadcast %shift_left3A : i32 to vector<53248xi32>
    %shift_left3A_164 = arith.shli %shift_right_arithmetic3A_162, %shift_left3A_163 : vector<53248xi32>
    %bitcast_convert_type3A_165 = tpu.bitcast %get3A_149 : vector<53248xf32> -> vector<53248xi32>
    %add3A_166 = arith.constant 32767 : i32
    %add3A_167 = vector.broadcast %add3A_166 : i32 to vector<53248xi32>
    %add3A_168 = arith.addi %bitcast_convert_type3A_165, %add3A_167 : vector<53248xi32>
    %shift_right_arithmetic3A_169 = arith.constant 16 : i32
    %shift_right_arithmetic3A_170 = vector.broadcast %shift_right_arithmetic3A_169 : i32 to vector<53248xi32>
    %shift_right_arithmetic3A_171 = arith.shrsi %bitcast_convert_type3A_165, %shift_right_arithmetic3A_170 : vector<53248xi32>
    %and3A_172 = arith.constant 1 : i32
    %and3A_173 = vector.broadcast %and3A_172 : i32 to vector<53248xi32>
    %and3A_174 = arith.andi %shift_right_arithmetic3A_171, %and3A_173 : vector<53248xi32>
    %add3A_175 = arith.addi %add3A_168, %and3A_174 : vector<53248xi32>
    %shift_right_arithmetic3A_176 = arith.constant 16 : i32
    %shift_right_arithmetic3A_177 = vector.broadcast %shift_right_arithmetic3A_176 : i32 to vector<53248xi32>
    %shift_right_arithmetic3A_178 = arith.shrsi %add3A_175, %shift_right_arithmetic3A_177 : vector<53248xi32>
    %and3A_179 = arith.constant 65535 : i32
    %and3A_180 = vector.broadcast %and3A_179 : i32 to vector<53248xi32>
    %and3A_181 = arith.andi %shift_right_arithmetic3A_178, %and3A_180 : vector<53248xi32>
    %or3A_182 = arith.ori %shift_left3A_164, %and3A_181 : vector<53248xi32>
    %bitcast_convert_type3A_183 = tpu.bitcast %or3A_182 : vector<53248xi32> -> vector<53248xf32>
    %swap3A_184 = arith.constant 0 : index
    %swap3A_185 = vector.load %arg22[%swap3A_184] : memref<53248xf32, #tpu.memory_space<vmem>>, vector<53248xf32>
    tpu.vector_store %arg22[%swap3A_184], %bitcast_convert_type3A_183 {strides = array<i32>} : memref<53248xf32, #tpu.memory_space<vmem>>, vector<53248xf32>,
    return
  }
}

</mosaic_0001>

<sc_bundles>
// kernel: kernel.4.cloned.1.call-start
scs
__scs_entry_jumppad:
0x0: {  	(pc) =	sbr.rel $0x88, $3  }
0x1: {  	(tag) =	ssettag $0x0;
	lr =	simm.s32 $0x1  }
0x2: {  	[smem:$0x3F92] =	sst lr;
	_ =	strace $0xD0000000  }
0x3: {  	_ = 	snop  }
0x4: {  	_ = 	snop  }
0x5: {  	_ = 	snop  }
0x6: {  	_ = 	snop  }
0x7: {  	_ = 	snop  }
__scs_overlays_trampoline_lowered:
0x8: {  	[smem:$0x3FA1] =	sst s0  }
0x9: {  	[smem:$0x3FA2] =	sst s1  }
0xa: {  	[smem:$0x3FA3] =	sst s2  }
0xb: {  	[smem:$0x3FA4] =	sst s3  }
0xc: {  	[smem:$0x3FA5] =	sst s4  }
0xd: {  	[smem:$0x3FA6] =	sst s5  }
0xe: {  	[smem:$0x3FA7] =	sst s6  }
0xf: {  	[smem:$0x3FA8] =	sst s7  }
0x10: {  	[smem:$0x3FA9] =	sst s8  }
0x11: {  	[smem:$0x3FAA] =	sst s9;
	s0 =	simm.s32 @!p0 $0x0  }
0x12: {  	s1 =	sld [smem:$0x3F90];
	s0 =	simm.s32 @p0 $0x1  }
0x13: {  	[smem:$0x3FAB] =	sst s0;
	s0 =	simm.s32 @!p1 $0x0  }
0x14: {  	s2 =	sld [smem:$0x3F8F];
	s0 =	simm.s32 @p1 $0x1  }
0x15: {  	[smem:$0x3FAC] =	sst s0;
	s0 =	simm.s32 @!p2 $0x0  }
0x16: {  	s3 =	sld [smem:$0x3FDB];
	s0 =	simm.s32 @p2 $0x1  }
0x17: {  	s4 =	simm.s32 $0x1BF5;
	[smem:$0x3FAE] =	sst s0  }
0x18: {  	s0 =	sld [smem:$0x3F91];
	_ =	swait.ge [sflag:s4], $0x0  }
0x19: {  	s7 =	sld [smem:$0x3F92]  }
0x1a: {  	s8 =	sadd.s32 $0xFFFFE003, lr  }
0x1b: {  	s9 =	sadd.s32 $0xFFFFFEF7, lr;
	s5 =	simm.s32 $0xFFFFFFFF;
	p2 =	slt.u32 s8, $0xFFFFF086  }
0x1c: {  	p1 =	slt.u32 s9, $0xF7A;
	s5 =	simm.s32 @!p2 $0x0  }
0x1d: {  	s5 =	simm.s32 @p1 $0x1;
	p0 =	seq.s32 s7, s2  }
0x1e: {  	s7 =	smul.u32 @!p0 $0xF7A, s2;
	p2 =	seq.s32 @!p0 s5, $0x0  }
0x1f: {  	s9 =	smul.u32 $0xF7A, s1;
	s8 =	simm.s32 @!p0 $0x1BF5;
	p2 =	por !p2, p0  }
0x20: {  	[sflag:s8] =	ssyncset.s32 @!p0 $0xFFFFF086;
	s6 =	sadd.s32 @!p0 s3, s7;
	s7 =	simm.s32 @!p0 $0x108  }
0x21: {  	s3 =	sadd.s32 s3, s9;
	s6 =	sadd.s32 @!p0 $0x88, s6;
	s7 =	simm.s32 @p2 $0x1082  }
0x22: {  	[simem:s7], [sflag:s8] =	dma.local @!p0 [hbm:s6], $0xF7A  }
0x23: {  	s9 =	sor.u32 $0xD0000000, s2;
	s6 =	simm.s32 $0x108;
	_ =	swait.ge @!p0 [sflag:s8], $0x0  }
0x24: {  	s3 =	sadd.s32 $0x88, s3;
	s6 =	simm.s32 @!p1 $0x1082;
	[sflag:s4] =	ssyncset.s32 $0xFFFFF086  }
0x25: {  	[simem:s6], [sflag:s4] =	dma.local [hbm:s3], $0xF7A  }
0x26: {  	[smem:$0x3F92] =	sst s1;
	(tag) =	ssettag s2;
	_ =	strace s9  }
0x27: {  	s1 =	sld [smem:$0x3FA2]  }
0x28: {  	s2 =	sld [smem:$0x3FA3]  }
0x29: {  	s4 =	sld [smem:$0x3FA5]  }
0x2a: {  	p0 =	seq.s32 s5, $0x0;
	s5 =	sld [smem:$0x3FA6]  }
0x2b: {  	s6 =	sld [smem:$0x3FA7]  }
0x2c: {  	s7 =	sld [smem:$0x3FA8]  }
0x2d: {  	s3 =	simm.s32 $0x108;
	s8 =	sld [smem:$0x3FA9]  }
0x2e: {  	s3 =	simm.s32 @!p0 $0x1082;
	s9 =	sld [smem:$0x3FAA]  }
0x2f: {  	lr =	sadd.s32 s0, s3;
	s0 =	sld [smem:$0x3FA1]  }
0x30: {  	s3 =	sld [smem:$0x3FA4]  }
0x31: {  	[smem:$0x3FAD] =	sst s10  }
0x32: {  	s10 =	sld [smem:$0x3FAB];
	_ =	sdelay $0x3  }
0x33: {  	p0 =	seq.s32 s10, $0x1;
	s10 =	sld [smem:$0x3FAD];
	_ =	sdelay $0x3  }
0x34: {  	[smem:$0x3FAD] =	sst s10  }
0x35: {  	s10 =	sld [smem:$0x3FAC];
	_ =	sdelay $0x3  }
0x36: {  	p1 =	seq.s32 s10, $0x1;
	s10 =	sld [smem:$0x3FAD];
	_ =	sdelay $0x3  }
0x37: {  	[smem:$0x3FAD] =	sst s10  }
0x38: {  	s10 =	sld [smem:$0x3FAE]  }
0x39: {  	_ = 	snop;
	(pc) =	sbr.ind lr, $3  }
0x3a: {  	_ = 	snop  }
0x3b: {  	_ = 	snop  }
0x3c: {  	p2 =	seq.s32 s10, $0x1;
	s10 =	sld [smem:$0x3FAD]  }
0x3d: {  	_ =	shalt  }
0x3e: {  	_ =	shalt  }
0x3f: {  	_ =	shalt  }
0x40: {  	_ =	shalt  }
0x41: {  	_ =	shalt  }
0x42: {  	_ =	shalt  }
0x43: {  	_ =	shalt  }
0x44: {  	_ =	shalt  }
0x45: {  	_ =	shalt  }
0x46: {  	_ =	shalt  }
0x47: {  	_ =	shalt  }
0x48: {  	_ =	shalt  }
0x49: {  	_ =	shalt  }
0x4a: {  	_ =	shalt  }
0x4b: {  	_ =	shalt  }
0x4c: {  	_ =	shalt  }
0x4d: {  	_ =	shalt  }
0x4e: {  	_ =	shalt  }
0x4f: {  	_ =	shalt  }
0x50: {  	_ =	shalt  }
0x51: {  	_ =	shalt  }
0x52: {  	_ =	shalt  }
0x53: {  	_ =	shalt  }
0x54: {  	_ =	shalt  }
0x55: {  	_ =	shalt  }
0x56: {  	_ =	shalt  }
0x57: {  	_ =	shalt  }
0x58: {  	_ =	shalt  }
0x59: {  	_ =	shalt  }
0x5a: {  	_ =	shalt  }
0x5b: {  	_ =	shalt  }
0x5c: {  	_ =	shalt  }
0x5d: {  	_ =	shalt  }
0x5e: {  	_ =	shalt  }
0x5f: {  	_ =	shalt  }
0x60: {  	_ =	shalt  }
0x61: {  	_ =	shalt  }
0x62: {  	_ =	shalt  }
0x63: {  	_ =	shalt  }
0x64: {  	_ =	shalt  }
0x65: {  	_ =	shalt  }
0x66: {  	_ =	shalt  }
0x67: {  	_ =	shalt  }
0x68: {  	_ =	shalt  }
0x69: {  	_ =	shalt  }
0x6a: {  	_ =	shalt  }
0x6b: {  	_ =	shalt  }
0x6c: {  	_ =	shalt  }
0x6d: {  	_ =	shalt  }
0x6e: {  	_ =	shalt  }
0x6f: {  	_ =	shalt  }
0x70: {  	_ =	shalt  }
0x71: {  	_ =	shalt  }
0x72: {  	_ =	shalt  }
0x73: {  	_ =	shalt  }
0x74: {  	_ =	shalt  }
0x75: {  	_ =	shalt  }
0x76: {  	_ =	shalt  }
0x77: {  	_ =	shalt  }
0x78: {  	_ =	shalt  }
0x79: {  	_ =	shalt  }
0x7a: {  	_ =	shalt  }
0x7b: {  	_ =	shalt  }
0x7c: {  	_ =	shalt  }
0x7d: {  	_ =	shalt  }
0x7e: {  	_ =	shalt  }
0x7f: {  	_ =	shalt  }
0x80: {  	_ =	shalt  }
0x81: {  	_ =	shalt  }
0x82: {  	_ =	shalt  }
0x83: {  	_ =	shalt  }
0x84: {  	_ =	shalt  }
0x85: {  	_ =	shalt  }
0x86: {  	_ =	shalt  }
0x87: {  	_ =	shalt  }
.Lfunc_end0:
.L_simem_size_0:
called_computation_lowered:
.L_overlay_start_0:
0x88: {  	s2 =	sld [smem:$0x3FD9]  }
0x89: {  	s3 =	sld [smem:$0x3FFE];
	_ =	sdelay $0x1  }
0x8a: {  	s1 =	srdreg.scid  }
0x8b: {  	s0 =	sand.u32 $0x1, s1  }
0x8c: {  	s16 =	sshll.u32 s0, $0xA;
	s2 =	sadd.s32 s3, s2  }
0x8d: {  	s2 =	sadd.s32 s2, s16  }
0x8e: {  	[smem:$0x3FB9] =	sst s2  }
0x8f: {  	_ = 	snop  }
0x90: {  	(tm) =	ssettm $0x1  }
0x91: {  	s17 =	sld [smem:$0x3FFB];
	_ =	sdelay $0x3  }
0x92: {  	_ =	strace s17  }
0x93: {  	s2 =	sld [smem:$0x3FFC];
	_ =	sdelay $0x3  }
0x94: {  	_ =	strace s2  }
0x95: {  	s2 =	sld [smem:$0x3FFD];
	_ =	sdelay $0x3  }
0x96: {  	_ =	strace s2  }
0x97: {  	_ =	strace $0x8FFFFFFF  }
0x98: {  	s18 =	sld [smem:$0x3FDB];
	_ =	sdelay $0x1  }
0x99: {  	s19 =	simm.s32 $_scs_section_size  }
0x9a: {  	s4 =	simm.s32 $_size__tile_overlayer_lowered;
	s5 =	simm.s32 $_tile_overlayer_lowered  }
0x9b: {  	s22 =	simm.s32 $0x1BFF;
	s21 =	sshll.u32 s5, $0x1;
	s2 =	sadd.s32 s19, s18  }
0x9c: {  	s6 =	simm.s32 $0x0;
	s20 =	sshll.u32 s4, $0x1;
	s4 =	sadd.s32 s21, s2  }
0x9d: {  	[timem:s6], [sflag:s22] =	dma.local [hbm:s4], s20  }
0x9e: {  	_ =	swait.ge [sflag:s22], s20  }
0x9f: {  	s3 =	ssub.s32 $0x0, s20;
	[sflag:s22] =	ssyncset.done $0x0  }
0xa0: {  	[sflag:s22] =	ssyncadd.s32 s3;
	_ =	sdelay $0x1  }
0xa1: {  	s23 =	simm.s32 $0x1B8B  }
0xa2: {  	_ =	swait.ge [sflag:s23], $0x1  }
0xa3: {  	[sflag:s23] =	ssyncset.done $0x0  }
0xa4: {  	s25 =	simm.s32 $0x1B8E;
	s24 =	sld [smem:$0x3FFE];
	[sflag:s23] =	ssyncadd.s32 $0xFFFFFFFF  }
0xa5: {  	s26 =	simm.s32 $execute0_lowered;
	[smem:$0x3FD2] =	sst s25  }
0xa6: {  	s4 =	sshll.u32 s26, $0x1;
	_ =	strace $0x80000046;
	[dreg:$0x1] =	wrdreg $0xFFFFFFFF  }
0xa7: {  	s28 =	simm.s32 $_size_execute0_lowered;
	s2 =	sadd.s32 s2, s4;
	[dreg:$0x0] =	wrdreg $0x0  }
0xa8: {  	s4 =	sshll.u32 s28, $0x1;
	[dreg:$0x2] =	wrdreg s2  }
0xa9: {  	[dreg:$0x3] =	wrdreg s4  }
0xaa: {  	[dreg:$0x4] =	wrdreg $0xC0  }
0xab: {  	_ =	task [dreg:s6], $0x5FFFF  }
0xac: {  	[dreg:$0x1] =	wrdreg $0xFFFFFFFF  }
0xad: {  	[dreg:$0x0] =	wrdreg $0x60  }
0xae: {  	[dreg:$0x2] =	wrdreg s24  }
0xaf: {  	[dreg:$0x3] =	wrdreg $0x75000  }
0xb0: {  	[dreg:$0x4] =	wrdreg $0x82000  }
0xb1: {  	[dreg:$0x5] =	wrdreg $0x8F000  }
0xb2: {  	[dreg:$0x6] =	wrdreg $0x9C000  }
0xb3: {  	[dreg:$0x7] =	wrdreg $0x9  }
0xb4: {  	_ =	task.clear_ibuf [dreg:s6], $0x8FFFF;
	_ =	strace $0x90000046  }
0xb5: {  	s29 =	simm.s32 $0x9;
	_ =	strace $0x80000048  }
0xb6: {  	_ =	swait.ge [sflag:s29], $0x1  }
0xb7: {  	[sflag:s29] =	ssyncadd.s32 $0xFFFFFFFF  }
0xb8: {  	_ =	strace $0x90000048  }
0xb9: {  	_ =	sfence  }
0xba: {  	s30 =	sld [smem:$0x0];
	_ =	sdelay $0x2  }
0xbb: {  	s31 =	sshll.u32 s1, $0xD;
	s1 =	sshrl.u32 s1, $0x2  }
0xbc: {  	s3 =	sand.u32 $0x4000, s31;
	s1 =	sadd.s32 s1, s30  }
0xbd: {  	s0 =	sor.u32 s3, s0;
	s1 =	sshll.u32 s1, $0x11  }
0xbe: {  	s0 =	sor.u32 s1, s0  }
0xbf: {  	s0 =	sadd.s32 $0x8F2B, s0  }
0xc0: {  	[sflag:s0] =	ssyncadd.remote.s32 $0x1  }
0xc1: {  	_ =	sfence.sel $0xFFFF  }
0xc2: {  	[dreg:$0x0] =	wrdreg $0xFFFFFFFF;
	(pc) =	sbr.abs _section_cstart, $3  }
0xc3: {  	[dreg:$0x1] =	wrdreg $0xFFFFFFFF  }
0xc4: {  	_ =	task.clear_ibuf [dreg:s6], $0x2FFFF;
	_ =	strace $0x9FFFFFFF  }
0xc5: {  	(tm) =	ssettm $0x7FFFFFFF  }
tec
execute0_lowered:
.L_overlay_start_1:
0x0: {  	(tag) =	ssettag $0x1  }
0x1: {  	s0 =	rddreg [dreg:$0x0]  }
0x2: {  	s1 =	rddreg [dreg:$0x1]  }
0x3: {  	s11 =	rddreg [dreg:$0x2]  }
0x4: {  	s2 =	srdreg.scid;
	s12 =	rddreg [dreg:$0x3]  }
0x5: {  	s9 =	stileid.u32;
	s13 =	rddreg [dreg:$0x4];
	s6 =	simm.s32 $0x0  }
0x6: {  	s28 =	simm.s32 $0x4E00;
	s29 =	simm.s32 $0x1;
	s30 =	simm.s32 $0xD00  }
0x7: {  	s31 =	simm.s32 $0x2700;
	s2 =	sand.u32 $0x1, s2;
	s3 =	smul.u32 $0xD00, s9  }
0x8: {  	[smem:$0x7FF] =	sst s6;
	s21 =	sshll.u32 s9, $0x6;
	s4 =	smul.u32 $0xD000, s2  }
0x9: {  	s5 =	ssub.s32 $0x2, s2;
	_ =	strace $0x80000047;
	s10 =	sor.u32 $0x1C01, s21  }
0xa: {  	p0 =	seq.s32 s2, $0x0;
	s2 =	simm.s32 $0x1A00;
	s7 =	sshrl.u32 s5, $0x1  }
0xb: {  	s8 =	sshrl.u32 s3, $0x3;
	s24 =	sadd.s32 s3, s12;
	s14 =	sadd.s32 s3, s13  }
0xc: {  	s4 =	sadd.s32 s3, s4;
	s5 =	ssub.s32 s5, s7;
	s7 =	sadd.s32 s3, s1  }
0xd: {  	s8 =	sadd.s32 s0, s8;
	s24 =	sshrl.u32 s24, $0x3;
	s4 =	sshrl.u32 s4, $0x3  }
0xe: {  	s22 =	sadd.s32 $0x1A00, s8;
	s23 =	sadd.s32 $0x3400, s8;
	s26 =	sadd.s32 $0x8200, s8  }
0xf: {  	s19 =	sadd.s32 $0x4E00, s8;
	s20 =	sadd.s32 $0x6800, s8;
	[dreg:$0x6] =	wrdreg s22  }
0x10: {  	s4 =	sadd.s32 s4, s0;
	s0 =	sadd.s32 s3, s11;
	[dreg:$0x7] =	wrdreg s23  }
0x11: {  	[dreg:$0x9] =	wrdreg s26;
	s11 =	simm.f32 $1.000000000e+00;
	s22 =	smax.u32 s5, $0x1  }
0x12: {  	s26 =	simm.s32 $0x2;
	s3 =	simm.s32 $0x4100;
	s5 =	simm.s32 $0x0  }
0x13: {  	s25 =	sadd.s32 $0x9C00, s4;
	s15 =	sadd.s32 $0x10400, s4;
	s16 =	sadd.s32 $0xD000, s4  }
0x14: {  	s17 =	sadd.s32 $0x16C00, s4;
	s18 =	sadd.s32 $0x13800, s4;
	s11 =	simm.s32 @!p0 $0x0  }
0x15: {  	s21 =	sadd.s32 $0x1A000, s4;
	s23 =	sshrl.u32 s0, $0x3;
	s0 =	simm.s32 $0x5B00  }
0x16: {  	s4 =	simm.s32 $0x3400;
	[dreg:$0x8] =	wrdreg s25;
	s25 =	sshrl.u32 s7, $0x3;
	v0 =	vmov s11  }
.LBB2_1:
0x17: {  	s9 =	rddreg [dreg:$0x6]  }
0x18: {  	[spmem:s25], [sflag:s10] =	dma.local [hbm:s9], $0x1A0  }
0x19: {  	s9 =	rddreg [dreg:$0x7]  }
0x1a: {  	[spmem:s23], [sflag:s10] =	dma.local [hbm:s9], $0x1A0  }
0x1b: {  	s9 =	rddreg [dreg:$0x8]  }
0x1c: {  	[spmem:s24], [sflag:s10] =	dma.local [hbm:s9], $0x1A0  }
0x1d: {  	[tilespmem:s6], [sflag:$0x2] =	stream.linear.gather [hbm4b:s8+s6], $0xD00, $0x38;
	[tilespmem:$0xA900] =	vst v63  }
0x1e: {  	_ =	swait.ge [sflag:s26], $0xD00  }
0x1f: {  	[sflag:s26] =	ssyncset.done $0x0  }
0x20: {  	s12 =	rddreg [dreg:$0x9];
	[sflag:s26] =	ssyncadd.s32 $0xFFFFF300  }
0x21: {  	[tilespmem:s28], [sflag:$0x2] =	stream.linear.gather [hbm4b:s12+s6], $0xD00, $0x38;
	[tilespmem:$0xA900] =	vst v63  }
0x22: {  	_ =	swait.ge [sflag:s26], $0xD00  }
0x23: {  	[sflag:s26] =	ssyncset.done $0x0  }
0x24: {  	[sflag:s26] =	ssyncadd.s32 $0xFFFFF300  }
0x25: {  	_ =	swait.ge [sflag:s29], $0x1A0  }
0x26: {  	[sflag:s29] =	ssyncset.done $0x0  }
0x27: {  	[sflag:s29] =	ssyncadd.s32 $0xFFFFFE60  }
0x28: {  	_ =	swait.ge [sflag:s29], $0x1A0  }
0x29: {  	[sflag:s29] =	ssyncset.done $0x0  }
0x2a: {  	[sflag:s29] =	ssyncadd.s32 $0xFFFFFE60  }
0x2b: {  	_ =	swait.ge [sflag:s29], $0x1A0  }
0x2c: {  	[sflag:s29] =	ssyncset.done $0x0  }
0x2d: {  	[sflag:s29] =	ssyncadd.s32 $0xFFFFFE60  }
0x2e: {  	[bflag:$0x0] =	sbarrier.arrive $0xFFFF  }
0x2f: {  	[tilespmem:s31], [sflag:$0x1] =	stream.indirect.gather [spmem:s1], $0x1, s6, s30, $0xb8;
	[tilespmem:$0xA900] =	vst v63  }
0x30: {  	s13 =	rddreg [dreg:$0x2]  }
0x31: {  	[tilespmem:s3], [sflag:$0x1] =	stream.indirect.gather [spmem:s13], $0x1, s6, s30, $0xb8;
	[tilespmem:$0xA900] =	vst v63  }
0x32: {  	_ =	swait.ge [sflag:s29], $0xD00  }
0x33: {  	[sflag:s29] =	ssyncset.done $0x0  }
0x34: {  	[sflag:s29] =	ssyncadd.s32 $0xFFFFF300  }
0x35: {  	_ =	swait.ge [sflag:s29], $0xD00  }
0x36: {  	[sflag:s29] =	ssyncset.done $0x0  }
0x37: {  	s9 =	simm.s32 $0x0;
	[sflag:s29] =	ssyncadd.s32 $0xFFFFF300  }
0x38: {  	v1 =	vld [tilespmem:s9+$0x4E00]  }
0x39: {  	v2 =	vld [tilespmem:s9+$0x4100]  }
0x3a: {  	v3 =	vld [tilespmem:s9+$0x2700]  }
0x3b: {  	s11 =	simm.s32 $0x10  }
0x3c: {  	v7 =	vld [tilespmem:s11+$0x4100]  }
0x3d: {  	v4 =	vld [tilespmem:s11+$0x2700]  }
0x3e: {  	vm0 =	vgt.f32 v1, $5.000000000e-01;
	v1 =	vld [tilespmem:s11+$0x4E00];
	vm1 =	vlt.f32 v2, $1.000000020e+30  }
0x3f: {  	v5 =	vshll.u32 v3, $0x10;
	v3 =	vand.u32 $0xFFFF0000, v3;
	vm0 =	vmand vm1, vm0  }
0x40: {  	v3 =	vsel vm0, v2, v3;
	v2 =	vsel vm0, v2, v5  }
0x41: {  	vm15 =	vlt.f32 v7, $1.000000020e+30;
	v6 =	vshrl.u32 v3, $0x10;
	v8 =	vshrl.u32 v2, $0x10  }
0x42: {  	s12 =	simm.s32 $0x20;
	v5 =	vshll.u32 v4, $0x10;
	v6 =	vand.u32 $0x1, v6;
	v8 =	vand.u32 $0x1, v8  }
0x43: {  	vm14 =	vgt.f32 v1, $5.000000000e-01;
	v3 =	vadd.s32 v6, v3;
	v2 =	vadd.s32 v8, v2;
	v1 =	vld [tilespmem:s12+$0x2700]  }
0x44: {  	v4 =	vand.u32 $0xFFFF0000, v4;
	v6 =	vadd.s32 $0x7FFF, v3;
	v2 =	vadd.s32 $0x7FFF, v2  }
0x45: {  	v3 =	vld [tilespmem:s12+$0x4E00];
	vm0 =	vmand vm15, vm14;
	v8 =	vand.u32 $0xFFFF0000, v6;
	v9 =	vshrl.u32 v2, $0x10  }
0x46: {  	s13 =	simm.s32 $0xC0;
	v2 =	vld [tilespmem:s12+$0x4100];
	v6 =	vsel vm0, v7, v4;
	v5 =	vsel vm0, v7, v5;
	v4 =	vor.u32 v9, v8  }
.LBB2_2:
0x47: {  	[tilespmem:s9+$0x5B00] =	vst v4;
	s9 =	smov.u32 s11  }
0x48: {  	v7 =	vshll.u32 v1, $0x10;
	v8 =	vshrl.u32 v6, $0x10;
	v9 =	vshrl.u32 v5, $0x10;
	s11 =	smov.u32 s12;
	s12 =	sshra.s32 s13, $0x2;
	p0 =	sne.s32 s13, $0x33C0  }
.Ltmp0:
0x49: {  	v4 =	vand.u32 $0xFFFF0000, v1;
	v1 =	vld [tilespmem:s12+$0x2700];
	v10 =	vand.u32 $0x1, v8;
	v9 =	vand.u32 $0x1, v9;
	(pc) =	sbr.rel @p0 .LBB2_2-.Ltmp0, $4  }
0x4a: {  	vm0 =	vgt.f32 v3, $5.000000000e-01;
	v6 =	vadd.s32 v10, v6;
	v5 =	vadd.s32 v9, v5  }
0x4b: {  	s13 =	sadd.s32 $0x40, s13;
	v3 =	vld [tilespmem:s12+$0x4E00];
	vm1 =	vlt.f32 v2, $1.000000020e+30;
	v6 =	vadd.s32 $0x7FFF, v6;
	v5 =	vadd.s32 $0x7FFF, v5;
	v8 =	vmovc v2  }
0x4c: {  	v2 =	vld [tilespmem:s12+$0x4100];
	vm0 =	vmand vm1, vm0;
	v9 =	vand.u32 $0xFFFF0000, v6;
	v10 =	vshrl.u32 v5, $0x10  }
0x4d: {  	v6 =	vsel vm0, v8, v4;
	v5 =	vsel vm0, v8, v7;
	v4 =	vor.u32 v10, v9  }
0x4e: {  	_ = 	snop  }
0x4f: {  	v7 =	vshrl.u32 v6, $0x10  }
0x50: {  	v8 =	vshll.u32 v1, $0x10;
	v9 =	vshrl.u32 v5, $0x10;
	v1 =	vand.u32 $0xFFFF0000, v1  }
0x51: {  	v7 =	vand.u32 $0x1, v7;
	vm0 =	vgt.f32 v3, $5.000000000e-01;
	vm1 =	vlt.f32 v2, $1.000000020e+30  }
0x52: {  	v61 =	vand.u32 $0x1, v9;
	v3 =	vadd.s32 v7, v6;
	vm0 =	vmand vm1, vm0  }
0x53: {  	v5 =	vadd.s32 v61, v5;
	v1 =	vsel vm0, v2, v1;
	v2 =	vsel vm0, v2, v8  }
0x54: {  	v3 =	vadd.s32 $0x7FFF, v3;
	v62 =	vshrl.u32 v1, $0x10;
	v63 =	vshrl.u32 v2, $0x10  }
0x55: {  	v5 =	vadd.s32 $0x7FFF, v5;
	v6 =	vand.u32 $0x1, v62;
	v7 =	vand.u32 $0x1, v63  }
0x56: {  	v3 =	vand.u32 $0xFFFF0000, v3;
	v1 =	vadd.s32 v6, v1;
	v2 =	vadd.s32 v7, v2  }
0x57: {  	v5 =	vshrl.u32 v5, $0x10;
	v1 =	vadd.s32 $0x7FFF, v1;
	v2 =	vadd.s32 $0x7FFF, v2  }
0x58: {  	[tilespmem:s9+$0x5B00] =	vst v4;
	v3 =	vor.u32 v5, v3;
	v1 =	vand.u32 $0xFFFF0000, v1;
	v2 =	vshrl.u32 v2, $0x10  }
0x59: {  	[tilespmem:s11+$0x5B00] =	vst v3;
	v1 =	vor.u32 v2, v1  }
0x5a: {  	[tilespmem:s12+$0x5B00] =	vst v1  }
0x5b: {  	[spmem:s14] =	stream.linear.scatter [tilespmem:s0], [sflag:$0x2], $0xD00, $0x38;
	[tilespmem:$0xA900] =	vst v63  }
0x5c: {  	_ =	swait.ge [sflag:s26], $0xD00  }
0x5d: {  	[sflag:s26] =	ssyncset.done $0x0  }
0x5e: {  	[sflag:s26] =	ssyncadd.s32 $0xFFFFF300  }
0x5f: {  	s13 =	simm.s32 $0x0;
	[bflag:$0x0] =	sbarrier.arrive $0xFFFF  }
0x60: {  	[tilespmem:s30], [sflag:$0x2] =	stream.linear.gather [hbm4b:s15+s13], $0xD00, $0x38;
	[tilespmem:$0xA900] =	vst v63  }
0x61: {  	_ =	swait.ge [sflag:s26], $0xD00  }
0x62: {  	[sflag:s26] =	ssyncset.done $0x0  }
0x63: {  	[sflag:s26] =	ssyncadd.s32 $0xFFFFF300  }
0x64: {  	[tilespmem:s2], [sflag:$0x2] =	stream.linear.gather [hbm4b:s16+s13], $0xD00, $0x38;
	[tilespmem:$0xA900] =	vst v63  }
0x65: {  	_ =	swait.ge [sflag:s26], $0xD00  }
0x66: {  	[sflag:s26] =	ssyncset.done $0x0  }
0x67: {  	[sflag:s26] =	ssyncadd.s32 $0xFFFFF300  }
0x68: {  	s11 =	rddreg [dreg:$0x4]  }
0x69: {  	[tilespmem:s31], [sflag:$0x1] =	stream.indirect.gather [spmem:s11], $0x1, s30, s30, $0xb8;
	[tilespmem:$0xA900] =	vst v63  }
0x6a: {  	_ = 	snop  }
0x6b: {  	[tilespmem:s4], [sflag:$0x1] =	stream.indirect.gather [spmem:s11], $0x1, s2, s30, $0xb8;
	[tilespmem:$0xA900] =	vst v63  }
0x6c: {  	s12 =	rddreg [dreg:$0x3]  }
0x6d: {  	[tilespmem:s0], [sflag:$0x1] =	stream.indirect.gather [spmem:s12], $0x1, s30, s30, $0xb8;
	[tilespmem:$0xA900] =	vst v63  }
0x6e: {  	s13 =	simm.s32 $0x6800  }
0x6f: {  	[tilespmem:s13], [sflag:$0x1] =	stream.indirect.gather [spmem:s12], $0x1, s2, s30, $0xb8;
	[tilespmem:$0xA900] =	vst v63  }
0x70: {  	_ =	swait.ge [sflag:s29], $0xD00  }
0x71: {  	[sflag:s29] =	ssyncset.done $0x0  }
0x72: {  	[sflag:s29] =	ssyncadd.s32 $0xFFFFF300  }
0x73: {  	_ =	swait.ge [sflag:s29], $0xD00  }
0x74: {  	[sflag:s29] =	ssyncset.done $0x0  }
0x75: {  	[sflag:s29] =	ssyncadd.s32 $0xFFFFF300  }
0x76: {  	_ =	swait.ge [sflag:s29], $0xD00  }
0x77: {  	[sflag:s29] =	ssyncset.done $0x0  }
0x78: {  	[sflag:s29] =	ssyncadd.s32 $0xFFFFF300  }
0x79: {  	_ =	swait.ge [sflag:s29], $0xD00  }
0x7a: {  	[sflag:s29] =	ssyncset.done $0x0  }
0x7b: {  	s9 =	simm.s32 $0x0;
	[sflag:s29] =	ssyncadd.s32 $0xFFFFF300  }
0x7c: {  	v1 =	vld [tilespmem:s9+$0x3400]  }
0x7d: {  	v2 =	vld [tilespmem:s9+$0x5B00]  }
0x7e: {  	v3 =	vld [tilespmem:s9+$0x6800]  }
0x7f: {  	v4 =	vld [tilespmem:s9+$0x2700];
	_ =	sdelay $0x3  }
0x80: {  	v5 =	vshll.u32 v1, $0x10;
	v2 =	vadd.f32 v3, v2  }
0x81: {  	v3 =	vshll.u32 v4, $0x10;
	v4 =	vand.u32 $0xFFFF0000, v4;
	v1 =	vand.u32 $0xFFFF0000, v1  }
0x82: {  	v3 =	vadd.f32 v5, v3;
	v1 =	vadd.f32 v1, v4;
	v2 =	vmul.f32 $2.500000000e-01, v2;
	_ =	sdelay $0x1  }
0x83: {  	v3 =	vmul.f32 v2, v3;
	v1 =	vmul.f32 v2, v1;
	_ =	sdelay $0x1  }
0x84: {  	v2 =	vshrl.u32 v1, $0x10;
	v4 =	vshrl.u32 v3, $0x10  }
0x85: {  	v2 =	vand.u32 $0x1, v2;
	v4 =	vand.u32 $0x1, v4  }
0x86: {  	v1 =	vadd.s32 v2, v1;
	v2 =	vadd.s32 v4, v3  }
0x87: {  	s11 =	simm.s32 $0x10;
	v3 =	vadd.s32 $0x7FFF, v1;
	v2 =	vadd.s32 $0x7FFF, v2  }
0x88: {  	v1 =	vld [tilespmem:s11+$0x3400];
	v3 =	vand.u32 $0xFFFF0000, v3;
	v4 =	vshrl.u32 v2, $0x10  }
0x89: {  	s12 =	simm.s32 $0x80;
	v2 =	vld [tilespmem:s11+$0x5B00];
	v3 =	vor.u32 v4, v3  }
.LBB2_4:
0x8a: {  	p0 =	sne.s32 s12, $0x33C0;
	v4 =	vld [tilespmem:s11+$0x6800];
	[tilespmem:s9+$0x2700] =	vst v3;
	s9 =	smov.u32 s11  }
0x8b: {  	v3 =	vld [tilespmem:s9+$0x2700];
	_ =	sdelay $0x3  }
0x8c: {  	v5 =	vshll.u32 v1, $0x10;
	v2 =	vadd.f32 v4, v2  }
0x8d: {  	v1 =	vand.u32 $0xFFFF0000, v1;
	v4 =	vshll.u32 v3, $0x10;
	v3 =	vand.u32 $0xFFFF0000, v3  }
0x8e: {  	v2 =	vmul.f32 $2.500000000e-01, v2;
	v4 =	vadd.f32 v5, v4;
	v1 =	vadd.f32 v1, v3;
	_ =	sdelay $0x1  }
0x8f: {  	v3 =	vmul.f32 v2, v4;
	v1 =	vmul.f32 v2, v1;
	_ =	sdelay $0x1  }
0x90: {  	v2 =	vshrl.u32 v1, $0x10;
	v4 =	vshrl.u32 v3, $0x10  }
.Ltmp1:
0x91: {  	v2 =	vand.u32 $0x1, v2;
	v4 =	vand.u32 $0x1, v4;
	(pc) =	sbr.rel @p0 .LBB2_4-.Ltmp1, $4  }
0x92: {  	v1 =	vadd.s32 v2, v1;
	v2 =	vadd.s32 v4, v3  }
0x93: {  	s11 =	sshra.s32 s12, $0x2;
	v3 =	vadd.s32 $0x7FFF, v1;
	v2 =	vadd.s32 $0x7FFF, v2  }
0x94: {  	v1 =	vld [tilespmem:s11+$0x3400];
	v3 =	vand.u32 $0xFFFF0000, v3;
	v4 =	vshrl.u32 v2, $0x10  }
0x95: {  	s12 =	sadd.s32 $0x40, s12;
	v2 =	vld [tilespmem:s11+$0x5B00];
	v3 =	vor.u32 v4, v3  }
0x96: {  	v4 =	vld [tilespmem:s11+$0x6800];
	[tilespmem:s9+$0x2700] =	vst v3  }
0x97: {  	v3 =	vld [tilespmem:s11+$0x2700];
	_ =	sdelay $0x3  }
0x98: {  	v5 =	vshll.u32 v1, $0x10;
	v2 =	vadd.f32 v4, v2  }
0x99: {  	v1 =	vand.u32 $0xFFFF0000, v1;
	v63 =	vshll.u32 v3, $0x10;
	v3 =	vand.u32 $0xFFFF0000, v3  }
0x9a: {  	v2 =	vmul.f32 $2.500000000e-01, v2;
	v4 =	vadd.f32 v5, v63;
	v1 =	vadd.f32 v1, v3;
	_ =	sdelay $0x1  }
0x9b: {  	v3 =	vmul.f32 v2, v4;
	v1 =	vmul.f32 v2, v1;
	_ =	sdelay $0x1  }
0x9c: {  	v2 =	vshrl.u32 v1, $0x10;
	v4 =	vshrl.u32 v3, $0x10  }
0x9d: {  	v2 =	vand.u32 $0x1, v2;
	v4 =	vand.u32 $0x1, v4  }
0x9e: {  	v1 =	vadd.s32 v2, v1;
	v2 =	vadd.s32 v4, v3  }
0x9f: {  	v1 =	vadd.s32 $0x7FFF, v1;
	v2 =	vadd.s32 $0x7FFF, v2  }
0xa0: {  	v1 =	vand.u32 $0xFFFF0000, v1;
	v2 =	vshrl.u32 v2, $0x10  }
0xa1: {  	v1 =	vor.u32 v2, v1  }
0xa2: {  	[tilespmem:s11+$0x2700] =	vst v1  }
0xa3: {  	[spmem:s7] =	stream.linear.scatter [tilespmem:s31], [sflag:$0x2], $0xD00, $0x38;
	[tilespmem:$0xA900] =	vst v63  }
0xa4: {  	_ =	swait.ge [sflag:s26], $0xD00  }
0xa5: {  	[sflag:s26] =	ssyncset.done $0x0  }
0xa6: {  	[sflag:s26] =	ssyncadd.s32 $0xFFFFF300  }
0xa7: {  	s13 =	simm.s32 $0x0;
	[bflag:$0x0] =	sbarrier.arrive $0xFFFF  }
0xa8: {  	[tilespmem:s30], [sflag:$0x2] =	stream.linear.gather [hbm4b:s17+s13], $0xD00, $0x38;
	[tilespmem:$0xA900] =	vst v63  }
0xa9: {  	_ =	swait.ge [sflag:s26], $0xD00  }
0xaa: {  	[sflag:s26] =	ssyncset.done $0x0  }
0xab: {  	[sflag:s26] =	ssyncadd.s32 $0xFFFFF300  }
0xac: {  	[tilespmem:s2], [sflag:$0x2] =	stream.linear.gather [hbm4b:s18+s13], $0xD00, $0x38;
	[tilespmem:$0xA900] =	vst v63  }
0xad: {  	_ =	swait.ge [sflag:s26], $0xD00  }
0xae: {  	[sflag:s26] =	ssyncset.done $0x0  }
0xaf: {  	[sflag:s26] =	ssyncadd.s32 $0xFFFFF300  }
0xb0: {  	[tilespmem:s3], [sflag:$0x1] =	stream.indirect.gather [spmem:s1], $0x1, s30, s30, $0xb8;
	[tilespmem:$0xA900] =	vst v63  }
0xb1: {  	_ = 	snop  }
0xb2: {  	[tilespmem:s28], [sflag:$0x1] =	stream.indirect.gather [spmem:s1], $0x1, s2, s30, $0xb8;
	[tilespmem:$0xA900] =	vst v63  }
0xb3: {  	_ = 	snop  }
0xb4: {  	[tilespmem:s31], [sflag:$0x2] =	stream.linear.gather [hbm4b:s19+s13], $0xD00, $0x38;
	[tilespmem:$0xA900] =	vst v63  }
0xb5: {  	_ =	swait.ge [sflag:s26], $0xD00  }
0xb6: {  	[sflag:s26] =	ssyncset.done $0x0  }
0xb7: {  	[sflag:s26] =	ssyncadd.s32 $0xFFFFF300  }
0xb8: {  	[tilespmem:s4], [sflag:$0x2] =	stream.linear.gather [hbm4b:s20+s13], $0xD00, $0x38;
	[tilespmem:$0xA900] =	vst v63  }
0xb9: {  	_ =	swait.ge [sflag:s26], $0xD00  }
0xba: {  	[sflag:s26] =	ssyncset.done $0x0  }
0xbb: {  	[sflag:s26] =	ssyncadd.s32 $0xFFFFF300  }
0xbc: {  	_ =	swait.ge [sflag:s29], $0xD00  }
0xbd: {  	[sflag:s29] =	ssyncset.done $0x0  }
0xbe: {  	[sflag:s29] =	ssyncadd.s32 $0xFFFFF300  }
0xbf: {  	_ =	swait.ge [sflag:s29], $0xD00  }
0xc0: {  	[sflag:s29] =	ssyncset.done $0x0  }
0xc1: {  	s9 =	simm.s32 $0x0;
	[sflag:s29] =	ssyncadd.s32 $0xFFFFF300  }
0xc2: {  	s11 =	simm.s32 $0x40;
	v1 =	vld [tilespmem:s9+$0x4E00]  }
.LBB2_6:
0xc3: {  	p0 =	sne.s32 s11, $0x33C0;
	v2 =	vld [tilespmem:s9+$0x4100];
	_ =	sdelay $0x1  }
0xc4: {  	v3 =	vld [tilespmem:s9+$0x2700]  }
0xc5: {  	v4 =	vld [tilespmem:s9+$0x3400];
	_ =	sdelay $0x1  }
0xc6: {  	v6 =	vshll.u32 v1, $0x10;
	v5 =	vshll.u32 v2, $0x10  }
0xc7: {  	v5 =	vsub.f32 v6, v5  }
0xc8: {  	v1 =	vand.u32 $0xFFFF0000, v1;
	v2 =	vand.u32 $0xFFFF0000, v2;
	v3 =	vmul.f32 v3, v0  }
0xc9: {  	v1 =	vsub.f32 v1, v2;
	v5 =	vmul.f32 v5, v4;
	v4 =	vsub.f32 $1.000000000e+00, v4;
	_ =	sdelay $0x1  }
.Ltmp2:
0xca: {  	v2 =	vadd.f32 v5, v3;
	v1 =	vmul.f32 v1, v4;
	(pc) =	sbr.rel @p0 .LBB2_6-.Ltmp2, $4  }
0xcb: {  	_ = 	snop  }
0xcc: {  	v2 =	vadd.f32 v2, v1  }
0xcd: {  	s12 =	sshra.s32 s11, $0x2  }
0xce: {  	s11 =	sadd.s32 $0x40, s11;
	v1 =	vld [tilespmem:s12+$0x4E00];
	[tilespmem:s9+$0x4100] =	vst v2;
	s9 =	smov.u32 s12  }
0xcf: {  	v2 =	vld [tilespmem:s9+$0x4100];
	_ =	sdelay $0x1  }
0xd0: {  	v3 =	vld [tilespmem:s9+$0x2700]  }
0xd1: {  	v4 =	vld [tilespmem:s9+$0x3400];
	_ =	sdelay $0x1  }
0xd2: {  	v6 =	vshll.u32 v1, $0x10;
	v5 =	vshll.u32 v2, $0x10  }
0xd3: {  	v5 =	vsub.f32 v6, v5  }
0xd4: {  	v1 =	vand.u32 $0xFFFF0000, v1;
	v2 =	vand.u32 $0xFFFF0000, v2;
	v3 =	vmul.f32 v3, v0  }
0xd5: {  	v1 =	vsub.f32 v1, v2;
	v5 =	vmul.f32 v5, v4;
	v4 =	vsub.f32 $1.000000000e+00, v4;
	_ =	sdelay $0x1  }
0xd6: {  	v2 =	vadd.f32 v5, v3;
	v1 =	vmul.f32 v1, v4;
	_ =	sdelay $0x1  }
0xd7: {  	s5 =	sadd.s32 $0x1, s5;
	v1 =	vadd.f32 v2, v1  }
0xd8: {  	p0 =	sne.s32 s5, s22  }
.Ltmp3:
0xd9: {  	[tilespmem:s9+$0x4100] =	vst v1;
	(pc) =	sbr.rel @p0 .LBB2_1-.Ltmp3, $4  }
0xda: {  	[hbm4b:s21+s6] =	stream.linear.scatter [tilespmem:s3], [sflag:$0x2], $0xD00, $0x38;
	[tilespmem:$0xA900] =	vst v63  }
0xdb: {  	_ =	swait.ge [sflag:s26], $0xD00  }
0xdc: {  	[sflag:s26] =	ssyncset.done $0x0  }
0xdd: {  	[sflag:s26] =	ssyncadd.s32 $0xFFFFF300  }
0xde: {  	_ =	sfence.sel $0x180000  }
0xdf: {  	[bflag:$0x0] =	sbarrier.arrive $0xFFFF  }
0xe0: {  	_ =	strace $0x90000047  }
0xe1: {  	s0 =	stileid.u32;
	[bflag:$0x2] =	sbarrier.arrive $0xFFFF  }
0xe2: {  	p0 =	sne.s32 s0, $0x0;
	s0 =	rddreg [dreg:$0x5]  }
0xe3: {  	s0 =	sadd.s32 @!p0 $0x100000, s0  }
0xe4: {  	[sflag:s0] =	ssyncadd.tile.s32 @!p0 $0x1;
	_ =	shalt  }
.Lfunc_end2:
_tile_overlayer_lowered:
.L_overlay_start_2:
0xe5: {  	(tag) =	ssettag $0x2  }
0xe6: {  	s0 =	rddreg [dreg:$0x0];
	s2 =	stileid.u32  }
0xe7: {  	s1 =	rddreg [dreg:$0x1];
	p0 =	sne.s32 s2, $0x0  }
0xe8: {  	s3 =	rddreg [dreg:$0x2];
	[bflag:$0x3] =	sbarrier.arrive $0xFFFF;
	s2 =	simm.s32 @!p0 $0x1C02  }
0xe9: {  	[timem:s3], [sflag:s2] =	dma.local @!p0 [hbm:s0], s1  }
0xea: {  	s0 =	simm.s32 @!p0 $0x2  }
0xeb: {  	_ =	swait.ge @!p0 [sflag:s0], s1  }
0xec: {  	s1 =	ssub.s32 @!p0 $0x0, s1;
	[sflag:s0] =	ssyncset.done @!p0 $0x0  }
0xed: {  	[sflag:s0] =	ssyncadd.s32 @!p0 s1  }
0xee: {  	[bflag:$0x3] =	sbarrier.arrive $0xFFFF  }
0xef: {  	_ =	shalt  }

</sc_bundles>
